<compile_context>
chip_gen: v7x
topology: tpu7x:2x2x1
jax: 0.10.2.dev20260603
libtpu: 0.0.44.dev20260713+nightly
codegen_flags: <defaults>
</compile_context>

<pallas_src>
import math

import jax
import jax.numpy as jnp
from jax import lax
from jax.experimental import pallas as pl
from jax.experimental.pallas import tpu as pltpu
from jax.experimental.pallas import tpu_sc as plsc

NUM_BUCKETS = 2048
MAX_VALUE = 20000
OUT_DIM = 64
BATCH = 4096
HIST = 200

NC = 2
NS = 16
NW = NC * NS
LANES = 16

ND = 8
NQ = NW // ND
H_PER_Q = HIST // NQ
DSUB = OUT_DIM // ND
NGRP = BATCH // LANES


def _bucket_lut(anchor_i32):
    max_exact = NUM_BUCKETS // 2
    r = jnp.arange(MAX_VALUE, dtype=jnp.int32) + anchor_i32
    is_small = r < max_exact
    ratio = r.astype(jnp.float32) / float(max_exact)
    val_if_large = max_exact + (
        jnp.log(ratio) / math.log(MAX_VALUE / max_exact) * (NUM_BUCKETS - max_exact)
    ).astype(jnp.int32)
    val_if_large = jnp.minimum(val_if_large, NUM_BUCKETS - 1)
    return jnp.where(is_small, r, val_if_large)


def _sc_body(
    rc_hbm, w_hbm, lut_hbm, out_hbm,
    lut_v, w_v, rc0, rc1, t0, t1, so0, so1, sr0, sr1,
):
    rc_v = [rc0, rc1]
    t_v = [t0, t1]
    sem_out = [so0, so1]
    sem_rc = [sr0, sr1]

    wid = lax.axis_index("s") * NC + lax.axis_index("c")
    dt = lax.rem(wid, jnp.int32(ND))
    q = lax.div(wid, jnp.int32(ND))
    h0 = q * H_PER_Q
    d0 = dt * DSUB
    h_last = h0 + jnp.int32(H_PER_Q - 1)

    pltpu.sync_copy(lut_hbm, lut_v)
    pltpu.sync_copy(w_hbm.at[pl.ds(dt * (NUM_BUCKETS * DSUB), NUM_BUCKETS * DSUB)], w_v)
    pltpu.sync_copy(rc_hbm.at[pl.ds(h0 * BATCH, BATCH)], rc_v[0])

    def pair(c0, _):
        for bb in range(2):
            h = h0 + c0 * 2 + jnp.int32(bb)

            if bb == 0:
                @pl.when(c0 > jnp.int32(0))
                def _():
                    pltpu.make_async_copy(
                        rc_hbm.at[pl.ds(jnp.int32(0), BATCH)], rc_v[0], sem_rc[0]
                    ).wait()
            else:
                pltpu.make_async_copy(
                    rc_hbm.at[pl.ds(jnp.int32(0), BATCH)], rc_v[1], sem_rc[1]
                ).wait()

            hn = jnp.minimum(h + jnp.int32(1), h_last)
            pltpu.async_copy(
                rc_hbm.at[pl.ds(hn * BATCH, BATCH)], rc_v[bb ^ 1], sem_rc[bb ^ 1]
            )

            @pl.when(c0 > jnp.int32(0))
            def _(bb=bb):
                pltpu.make_async_copy(
                    t_v[bb],
                    out_hbm.at[pl.ds(jnp.int32(0), 1), pl.ds(jnp.int32(0), DSUB), :],
                    sem_out[bb],
                ).wait()

            @plsc.parallel_loop(
                jnp.int32(0), jnp.int32(NGRP), step=jnp.int32(1), unroll=8
            )
            def grp(g, bb=bb):
                base = g * LANES
                rc16 = rc_v[bb][pl.ds(base, LANES)]
                bkt = plsc.load_gather(lut_v, [rc16])
                for ds in range(DSUB):
                    v = plsc.load_gather(w_v, [bkt + jnp.int32(ds * NUM_BUCKETS)])
                    t_v[bb][0, ds, pl.ds(base, LANES)] = v
            pltpu.async_copy(
                t_v[bb],
                out_hbm.at[pl.ds(h, 1), pl.ds(d0, DSUB), :],
                sem_out[bb],
            )
        return _

    lax.fori_loop(jnp.int32(0), jnp.int32(H_PER_Q // 2), pair, None)
    pltpu.make_async_copy(
        rc_hbm.at[pl.ds(jnp.int32(0), BATCH)], rc_v[0], sem_rc[0]
    ).wait()
    for bb in range(2):
        pltpu.make_async_copy(
            t_v[bb],
            out_hbm.at[pl.ds(jnp.int32(0), 1), pl.ds(jnp.int32(0), DSUB), :],
            sem_out[bb],
        ).wait()


def kernel(rawcount, W):
    rc_lin = rawcount.astype(jnp.int32).T.reshape(HIST * BATCH)
    w_lin = jnp.transpose(W.reshape(NUM_BUCKETS, ND, DSUB), (1, 2, 0)).reshape(-1)
    lut = _bucket_lut(rc_lin[0] * 0)
    mesh = plsc.VectorSubcoreMesh(
        core_axis_name="c", subcore_axis_name="s", num_cores=NC, num_subcores=NS
    )
    out_p = pl.kernel(
        _sc_body,
        out_type=jax.ShapeDtypeStruct((HIST, OUT_DIM, BATCH), jnp.float32),
        mesh=mesh,
        compiler_params=pltpu.CompilerParams(
            needs_layout_passes=False, use_tc_tiling_on_sc=True
        ),
        scratch_types=[
            pltpu.VMEM((MAX_VALUE,), jnp.int32),
            pltpu.VMEM((NUM_BUCKETS * DSUB,), jnp.float32),
            pltpu.VMEM((BATCH,), jnp.int32),
            pltpu.VMEM((BATCH,), jnp.int32),
            pltpu.VMEM((1, DSUB, BATCH), jnp.float32),
            pltpu.VMEM((1, DSUB, BATCH), jnp.float32),
            pltpu.SemaphoreType.DMA,
            pltpu.SemaphoreType.DMA,
            pltpu.SemaphoreType.DMA,
            pltpu.SemaphoreType.DMA,
        ],
    )(rc_lin, w_lin, lut)
    return jnp.transpose(out_p, (2, 0, 1))

# --- scband reference (transcript-rebuilt; emitter-appended) ---
"""Pipeline reference for scband-raw-count-encoding-17952963297974 (READ-ONLY COPY).

The authoritative reference and input builder live on the scoring server;
editing this copy changes nothing except your own understanding.
"""

import jax, jax.numpy as jnp
import numpy as np
import math

jax.config.update("jax_enable_x64", True)

NUM_BUCKETS = 2048
MAX_VALUE = 20000
OUT_DIM = 64
BATCH = 4096
HIST = 200


def setup_inputs(seed: int = 0) -> dict:
    key = jax.random.key(seed)
    k1, k2 = jax.random.split(key)
    rawcount = jax.random.randint(k1, (BATCH, HIST), 0, MAX_VALUE, dtype=jnp.int64)
    # embedding table, nn.Embedding default init ~ N(0,1)
    W = jax.random.normal(k2, (NUM_BUCKETS, OUT_DIM), dtype=jnp.float32)
    return {"rawcount": rawcount, "W": W}


def _rawcount_bucket(rawcount, num_buckets, max_value):
    max_exact = num_buckets // 2
    is_small = rawcount < max_exact
    ratio = rawcount.astype(jnp.float32) / float(max_exact)
    val_if_large = max_exact + (
        jnp.log(ratio) / math.log(max_value / max_exact) * (num_buckets - max_exact)
    ).astype(jnp.int64)
    val_if_large = jnp.minimum(val_if_large, jnp.full_like(val_if_large, num_buckets - 1))
    return jnp.where(is_small, rawcount, val_if_large)


def reference(rawcount, W):
    bucket = _rawcount_bucket(rawcount, NUM_BUCKETS, MAX_VALUE)
    # nn.Embedding lookup; Dropout is identity in eval mode
    x = jnp.take(W, bucket, axis=0)
    return x

if __name__ == "__main__":
    import jax
    _d = setup_inputs()
    print(jax.jit(kernel)(*tuple(_d.values())))

</pallas_src>

<mosaic_0001>
#map = affine_map<(d0, d1) -> (0)>
#map1 = affine_map<(d0, d1) -> (0, 0, 0)>
module attributes {stable_mosaic.version = 14 : i64} {
  func.func @_sc_body(%arg0: i32, %arg1: i32, %arg2: memref<819200xi32, #tpu.memory_space<hbm>>, %arg3: memref<131072xf32, #tpu.memory_space<hbm>>, %arg4: memref<20000xi32, #tpu.memory_space<hbm>>, %arg5: memref<200x64x4096xf32, #tpu.memory_space<hbm>>, %arg6: memref<20000xi32, #tpu.memory_space<vmem>>, %arg7: memref<16384xf32, #tpu.memory_space<vmem>>, %arg8: memref<4096xi32, #tpu.memory_space<vmem>>, %arg9: memref<4096xi32, #tpu.memory_space<vmem>>, %arg10: memref<1x8x4096xf32, #tpu.memory_space<vmem>>, %arg11: memref<1x8x4096xf32, #tpu.memory_space<vmem>>, %arg12: memref<!tpu.dma_semaphore, #tpu.memory_space<semaphore_mem>>, %arg13: memref<!tpu.dma_semaphore, #tpu.memory_space<semaphore_mem>>, %arg14: memref<!tpu.dma_semaphore, #tpu.memory_space<semaphore_mem>>, %arg15: memref<!tpu.dma_semaphore, #tpu.memory_space<semaphore_mem>>) attributes {dimension_semantics = [#tpu.dimension_semantics<core_parallel>, #tpu.dimension_semantics<subcore_parallel>], iteration_bounds = array<i64: 2, 16>, scalar_prefetch = 0 : i64, scratch_operands = 10 : i64, tpu.core_type = #tpu.core_type<sc_vector_subcore>, window_params = [{transform_indices = #map}, {transform_indices = #map}, {transform_indices = #map}, {transform_indices = #map1}]} {
    %mul3A = arith.constant 2 : i32
    %mul3A_0 = arith.muli %arg1, %mul3A : i32
    %add3A = arith.addi %mul3A_0, %arg0 : i32
    %rem3A = arith.constant 8 : i32
    %rem3A_1 = arith.remsi %add3A, %rem3A : i32
    %div3A = arith.constant 8 : i32
    %div3A_2 = arith.divsi %add3A, %div3A : i32
    %mul3A_3 = arith.constant 50 : i32
    %mul3A_4 = arith.muli %div3A_2, %mul3A_3 : i32
    %mul3A_5 = arith.constant 8 : i32
    %mul3A_6 = arith.muli %rem3A_1, %mul3A_5 : i32
    %add3A_7 = arith.constant 49 : i32
    %add3A_8 = arith.addi %mul3A_4, %add3A_7 : i32
    "tpu.region"() ({
      %run_scoped3A = tpu.sem_alloc : memref<!tpu.dma_semaphore, #tpu.memory_space<semaphore_mem>>
      tpu.enqueue_dma source(%arg4 : memref<20000xi32, #tpu.memory_space<hbm>>) target(%arg6 : memref<20000xi32, #tpu.memory_space<vmem>>) target_semaphore(%run_scoped3A : memref<!tpu.dma_semaphore, #tpu.memory_space<semaphore_mem>>)
      tpu.wait_dma2 semaphore(%run_scoped3A : memref<!tpu.dma_semaphore, #tpu.memory_space<semaphore_mem>>) src(%arg4 : memref<20000xi32, #tpu.memory_space<hbm>>) dst(%arg6 : memref<20000xi32, #tpu.memory_space<vmem>>)
      tpu.yield
    }) : () -> ()
    %mul3A_9 = arith.constant 16384 : i32
    %mul3A_10 = arith.muli %rem3A_1, %mul3A_9 : i32
    "tpu.region"() ({
      %run_scoped3A = tpu.sem_alloc : memref<!tpu.dma_semaphore, #tpu.memory_space<semaphore_mem>>
      %dma_start3A = tpu.memref_slice %arg3[%mul3A_10] : memref<131072xf32, #tpu.memory_space<hbm>> -> memref<16384xf32, #tpu.memory_space<hbm>>
      %dma_start3A_36 = tpu.memref_slice %arg3[%mul3A_10] : memref<131072xf32, #tpu.memory_space<hbm>> -> memref<16384xf32, #tpu.memory_space<hbm>>
      tpu.enqueue_dma source(%dma_start3A_36 : memref<16384xf32, #tpu.memory_space<hbm>>) target(%arg7 : memref<16384xf32, #tpu.memory_space<vmem>>) target_semaphore(%run_scoped3A : memref<!tpu.dma_semaphore, #tpu.memory_space<semaphore_mem>>)
      %dma_wait3A_37 = tpu.memref_slice %arg3[%mul3A_10] : memref<131072xf32, #tpu.memory_space<hbm>> -> memref<16384xf32, #tpu.memory_space<hbm>>
      %dma_wait3A_38 = tpu.memref_slice %arg3[%mul3A_10] : memref<131072xf32, #tpu.memory_space<hbm>> -> memref<16384xf32, #tpu.memory_space<hbm>>
      tpu.wait_dma2 semaphore(%run_scoped3A : memref<!tpu.dma_semaphore, #tpu.memory_space<semaphore_mem>>) src(%dma_wait3A_38 : memref<16384xf32, #tpu.memory_space<hbm>>) dst(%arg7 : memref<16384xf32, #tpu.memory_space<vmem>>)
      tpu.yield
    }) : () -> ()
    %mul3A_11 = arith.constant 4096 : i32
    %mul3A_12 = arith.muli %mul3A_4, %mul3A_11 : i32
    "tpu.region"() ({
      %run_scoped3A = tpu.sem_alloc : memref<!tpu.dma_semaphore, #tpu.memory_space<semaphore_mem>>
      %dma_start3A = tpu.memref_slice %arg2[%mul3A_12] : memref<819200xi32, #tpu.memory_space<hbm>> -> memref<4096xi32, #tpu.memory_space<hbm>>
      %dma_start3A_36 = tpu.memref_slice %arg2[%mul3A_12] : memref<819200xi32, #tpu.memory_space<hbm>> -> memref<4096xi32, #tpu.memory_space<hbm>>
      tpu.enqueue_dma source(%dma_start3A_36 : memref<4096xi32, #tpu.memory_space<hbm>>) target(%arg8 : memref<4096xi32, #tpu.memory_space<vmem>>) target_semaphore(%run_scoped3A : memref<!tpu.dma_semaphore, #tpu.memory_space<semaphore_mem>>)
      %dma_wait3A_37 = tpu.memref_slice %arg2[%mul3A_12] : memref<819200xi32, #tpu.memory_space<hbm>> -> memref<4096xi32, #tpu.memory_space<hbm>>
      %dma_wait3A_38 = tpu.memref_slice %arg2[%mul3A_12] : memref<819200xi32, #tpu.memory_space<hbm>> -> memref<4096xi32, #tpu.memory_space<hbm>>
      tpu.wait_dma2 semaphore(%run_scoped3A : memref<!tpu.dma_semaphore, #tpu.memory_space<semaphore_mem>>) src(%dma_wait3A_38 : memref<4096xi32, #tpu.memory_space<hbm>>) dst(%arg8 : memref<4096xi32, #tpu.memory_space<vmem>>)
      tpu.yield
    }) : () -> ()
    %while3A = arith.constant 0 : i32
    %while3A_13 = arith.constant 25 : i32
    %while3A_14 = arith.subi %while3A_13, %while3A : i32
    %while3A_15 = arith.addi %while3A, %while3A_14 : i32
    %while3A_16 = arith.constant 1 : i32
    %while3A_17 = arith.divsi %while3A_14, %while3A_16 : i32
    %while3A_18 = arith.muli %while3A_17, %while3A_16 : i32
    %while3A_19 = arith.addi %while3A, %while3A_18 : i32
    %while3A_20 = arith.constant 1 : i32
    scf.for %while3A_36 = %while3A to %while3A_19 step %while3A_20  : i32 {
      %mul3A_37 = arith.constant 2 : i32
      %mul3A_38 = arith.muli %while3A_36, %mul3A_37 : i32
      %add3A_39 = arith.addi %mul3A_4, %mul3A_38 : i32
      %add3A_40 = arith.constant 0 : i32
      %add3A_41 = arith.addi %add3A_39, %add3A_40 : i32
      %gt3A = arith.constant 0 : i32
      %gt3A_42 = arith.cmpi sgt, %while3A_36, %gt3A : i32
      %convert_element_type3A = arith.extui %gt3A_42 : i1 to i32
      %cond3A = arith.constant 0 : i32
      %cond3A_43 = arith.cmpi ne, %convert_element_type3A, %cond3A : i32
      scf.if %cond3A_43 {
        %dma_wait3A_87 = arith.constant 0 : i32
        %dma_wait3A_88 = tpu.memref_slice %arg2[%dma_wait3A_87] : memref<819200xi32, #tpu.memory_space<hbm>> -> memref<4096xi32, #tpu.memory_space<hbm>>
        %dma_wait3A_89 = tpu.memref_slice %arg2[%dma_wait3A_87] : memref<819200xi32, #tpu.memory_space<hbm>> -> memref<4096xi32, #tpu.memory_space<hbm>>
        tpu.wait_dma2 semaphore(%arg14 : memref<!tpu.dma_semaphore, #tpu.memory_space<semaphore_mem>>) src(%dma_wait3A_89 : memref<4096xi32, #tpu.memory_space<hbm>>) dst(%arg8 : memref<4096xi32, #tpu.memory_space<vmem>>)
      } else {
      }
      %add3A_44 = arith.constant 1 : i32
      %add3A_45 = arith.addi %add3A_41, %add3A_44 : i32
      %min3A = arith.minsi %add3A_45, %add3A_8 : i32
      %mul3A_46 = arith.constant 4096 : i32
      %mul3A_47 = arith.muli %min3A, %mul3A_46 : i32
      %dma_start3A = tpu.memref_slice %arg2[%mul3A_47] : memref<819200xi32, #tpu.memory_space<hbm>> -> memref<4096xi32, #tpu.memory_space<hbm>>
      %dma_start3A_48 = tpu.memref_slice %arg2[%mul3A_47] : memref<819200xi32, #tpu.memory_space<hbm>> -> memref<4096xi32, #tpu.memory_space<hbm>>
      tpu.enqueue_dma source(%dma_start3A_48 : memref<4096xi32, #tpu.memory_space<hbm>>) target(%arg9 : memref<4096xi32, #tpu.memory_space<vmem>>) target_semaphore(%arg15 : memref<!tpu.dma_semaphore, #tpu.memory_space<semaphore_mem>>)
      %gt3A_49 = arith.constant 0 : i32
      %gt3A_50 = arith.cmpi sgt, %while3A_36, %gt3A_49 : i32
      %convert_element_type3A_51 = arith.extui %gt3A_50 : i1 to i32
      %cond3A_52 = arith.constant 0 : i32
      %cond3A_53 = arith.cmpi ne, %convert_element_type3A_51, %cond3A_52 : i32
      scf.if %cond3A_53 {
        %dma_wait3A_87 = arith.constant 0 : i32
        %dma_wait3A_88 = arith.constant 0 : i32
        %dma_wait3A_89 = arith.constant 0 : i32
        %dma_wait3A_90 = tpu.memref_slice %arg5[%dma_wait3A_87, %dma_wait3A_88, %dma_wait3A_89] : memref<200x64x4096xf32, #tpu.memory_space<hbm>> -> memref<1x8x4096xf32, #tpu.memory_space<hbm>>
        %dma_wait3A_91 = arith.constant 0 : i32
        %dma_wait3A_92 = tpu.memref_slice %arg5[%dma_wait3A_87, %dma_wait3A_88, %dma_wait3A_91] : memref<200x64x4096xf32, #tpu.memory_space<hbm>> -> memref<1x8x4096xf32, #tpu.memory_space<hbm>>
        tpu.wait_dma2 semaphore(%arg12 : memref<!tpu.dma_semaphore, #tpu.memory_space<semaphore_mem>>) src(%arg10 : memref<1x8x4096xf32, #tpu.memory_space<vmem>>) dst(%dma_wait3A_92 : memref<1x8x4096xf32, #tpu.memory_space<hbm>>)
      } else {
      }
      %parallel_loop3A = arith.constant 0 : i32
      %parallel_loop3A_54 = arith.constant 256 : i32
      %parallel_loop3A_55 = arith.constant 1 : i32
      scf.for %parallel_loop3A_87 = %parallel_loop3A to %parallel_loop3A_54 step %parallel_loop3A_55  : i32 {
        %parallel_loop3A_88 = arith.constant 16 : i32
        %parallel_loop3A_89 = arith.muli %parallel_loop3A_87, %parallel_loop3A_88 : i32
        %parallel_loop3A_90 = arith.index_cast %parallel_loop3A_89 : i32 to index
        %parallel_loop3A_91 = tpu.vector_load %arg8[%parallel_loop3A_90] {strides = array<i32>} : memref<4096xi32, #tpu.memory_space<vmem>>, vector<16xi32>,
        %parallel_loop3A_92 = tpu.vector_load_idx %arg6[%parallel_loop3A_91] : memref<20000xi32, #tpu.memory_space<vmem>>[vector<16xi32>], vector<16xi32>,
        %parallel_loop3A_93 = arith.constant 0 : i32
        %parallel_loop3A_94 = vector.broadcast %parallel_loop3A_93 : i32 to vector<16xi32>
        %parallel_loop3A_95 = arith.addi %parallel_loop3A_92, %parallel_loop3A_94 : vector<16xi32>
        %parallel_loop3A_96 = tpu.vector_load_idx %arg7[%parallel_loop3A_95] : memref<16384xf32, #tpu.memory_space<vmem>>[vector<16xi32>], vector<16xf32>,
        %parallel_loop3A_97 = arith.constant 0 : i64
        %parallel_loop3A_98 = arith.constant 0 : i64
        %parallel_loop3A_99 = arith.index_cast %parallel_loop3A_97 : i64 to index
        %parallel_loop3A_100 = arith.index_cast %parallel_loop3A_98 : i64 to index
        %parallel_loop3A_101 = arith.index_cast %parallel_loop3A_89 : i32 to index
        %parallel_loop3A_102 = tpu.vector_load %arg10[%parallel_loop3A_99, %parallel_loop3A_100, %parallel_loop3A_101] {strides = array<i32>} : memref<1x8x4096xf32, #tpu.memory_space<vmem>>, vector<16xf32>,
        tpu.vector_store %arg10[%parallel_loop3A_99, %parallel_loop3A_100, %parallel_loop3A_101], %parallel_loop3A_96 {strides = array<i32>} : memref<1x8x4096xf32, #tpu.memory_space<vmem>>, vector<16xf32>,
        %parallel_loop3A_103 = arith.constant 2048 : i32
        %parallel_loop3A_104 = vector.broadcast %parallel_loop3A_103 : i32 to vector<16xi32>
        %parallel_loop3A_105 = arith.addi %parallel_loop3A_92, %parallel_loop3A_104 : vector<16xi32>
        %parallel_loop3A_106 = tpu.vector_load_idx %arg7[%parallel_loop3A_105] : memref<16384xf32, #tpu.memory_space<vmem>>[vector<16xi32>], vector<16xf32>,
        %parallel_loop3A_107 = arith.constant 0 : i64
        %parallel_loop3A_108 = arith.constant 1 : i64
        %parallel_loop3A_109 = arith.index_cast %parallel_loop3A_107 : i64 to index
        %parallel_loop3A_110 = arith.index_cast %parallel_loop3A_108 : i64 to index
        %parallel_loop3A_111 = arith.index_cast %parallel_loop3A_89 : i32 to index
        %parallel_loop3A_112 = tpu.vector_load %arg10[%parallel_loop3A_109, %parallel_loop3A_110, %parallel_loop3A_111] {strides = array<i32>} : memref<1x8x4096xf32, #tpu.memory_space<vmem>>, vector<16xf32>,
        tpu.vector_store %arg10[%parallel_loop3A_109, %parallel_loop3A_110, %parallel_loop3A_111], %parallel_loop3A_106 {strides = array<i32>} : memref<1x8x4096xf32, #tpu.memory_space<vmem>>, vector<16xf32>,
        %parallel_loop3A_113 = arith.constant 4096 : i32
        %parallel_loop3A_114 = vector.broadcast %parallel_loop3A_113 : i32 to vector<16xi32>
        %parallel_loop3A_115 = arith.addi %parallel_loop3A_92, %parallel_loop3A_114 : vector<16xi32>
        %parallel_loop3A_116 = tpu.vector_load_idx %arg7[%parallel_loop3A_115] : memref<16384xf32, #tpu.memory_space<vmem>>[vector<16xi32>], vector<16xf32>,
        %parallel_loop3A_117 = arith.constant 0 : i64
        %parallel_loop3A_118 = arith.constant 2 : i64
        %parallel_loop3A_119 = arith.index_cast %parallel_loop3A_117 : i64 to index
        %parallel_loop3A_120 = arith.index_cast %parallel_loop3A_118 : i64 to index
        %parallel_loop3A_121 = arith.index_cast %parallel_loop3A_89 : i32 to index
        %parallel_loop3A_122 = tpu.vector_load %arg10[%parallel_loop3A_119, %parallel_loop3A_120, %parallel_loop3A_121] {strides = array<i32>} : memref<1x8x4096xf32, #tpu.memory_space<vmem>>, vector<16xf32>,
        tpu.vector_store %arg10[%parallel_loop3A_119, %parallel_loop3A_120, %parallel_loop3A_121], %parallel_loop3A_116 {strides = array<i32>} : memref<1x8x4096xf32, #tpu.memory_space<vmem>>, vector<16xf32>,
        %parallel_loop3A_123 = arith.constant 6144 : i32
        %parallel_loop3A_124 = vector.broadcast %parallel_loop3A_123 : i32 to vector<16xi32>
        %parallel_loop3A_125 = arith.addi %parallel_loop3A_92, %parallel_loop3A_124 : vector<16xi32>
        %parallel_loop3A_126 = tpu.vector_load_idx %arg7[%parallel_loop3A_125] : memref<16384xf32, #tpu.memory_space<vmem>>[vector<16xi32>], vector<16xf32>,
        %parallel_loop3A_127 = arith.constant 0 : i64
        %parallel_loop3A_128 = arith.constant 3 : i64
        %parallel_loop3A_129 = arith.index_cast %parallel_loop3A_127 : i64 to index
        %parallel_loop3A_130 = arith.index_cast %parallel_loop3A_128 : i64 to index
        %parallel_loop3A_131 = arith.index_cast %parallel_loop3A_89 : i32 to index
        %parallel_loop3A_132 = tpu.vector_load %arg10[%parallel_loop3A_129, %parallel_loop3A_130, %parallel_loop3A_131] {strides = array<i32>} : memref<1x8x4096xf32, #tpu.memory_space<vmem>>, vector<16xf32>,
        tpu.vector_store %arg10[%parallel_loop3A_129, %parallel_loop3A_130, %parallel_loop3A_131], %parallel_loop3A_126 {strides = array<i32>} : memref<1x8x4096xf32, #tpu.memory_space<vmem>>, vector<16xf32>,
        %parallel_loop3A_133 = arith.constant 8192 : i32
        %parallel_loop3A_134 = vector.broadcast %parallel_loop3A_133 : i32 to vector<16xi32>
        %parallel_loop3A_135 = arith.addi %parallel_loop3A_92, %parallel_loop3A_134 : vector<16xi32>
        %parallel_loop3A_136 = tpu.vector_load_idx %arg7[%parallel_loop3A_135] : memref<16384xf32, #tpu.memory_space<vmem>>[vector<16xi32>], vector<16xf32>,
        %parallel_loop3A_137 = arith.constant 0 : i64
        %parallel_loop3A_138 = arith.constant 4 : i64
        %parallel_loop3A_139 = arith.index_cast %parallel_loop3A_137 : i64 to index
        %parallel_loop3A_140 = arith.index_cast %parallel_loop3A_138 : i64 to index
        %parallel_loop3A_141 = arith.index_cast %parallel_loop3A_89 : i32 to index
        %parallel_loop3A_142 = tpu.vector_load %arg10[%parallel_loop3A_139, %parallel_loop3A_140, %parallel_loop3A_141] {strides = array<i32>} : memref<1x8x4096xf32, #tpu.memory_space<vmem>>, vector<16xf32>,
        tpu.vector_store %arg10[%parallel_loop3A_139, %parallel_loop3A_140, %parallel_loop3A_141], %parallel_loop3A_136 {strides = array<i32>} : memref<1x8x4096xf32, #tpu.memory_space<vmem>>, vector<16xf32>,
        %parallel_loop3A_143 = arith.constant 10240 : i32
        %parallel_loop3A_144 = vector.broadcast %parallel_loop3A_143 : i32 to vector<16xi32>
        %parallel_loop3A_145 = arith.addi %parallel_loop3A_92, %parallel_loop3A_144 : vector<16xi32>
        %parallel_loop3A_146 = tpu.vector_load_idx %arg7[%parallel_loop3A_145] : memref<16384xf32, #tpu.memory_space<vmem>>[vector<16xi32>], vector<16xf32>,
        %parallel_loop3A_147 = arith.constant 0 : i64
        %parallel_loop3A_148 = arith.constant 5 : i64
        %parallel_loop3A_149 = arith.index_cast %parallel_loop3A_147 : i64 to index
        %parallel_loop3A_150 = arith.index_cast %parallel_loop3A_148 : i64 to index
        %parallel_loop3A_151 = arith.index_cast %parallel_loop3A_89 : i32 to index
        %parallel_loop3A_152 = tpu.vector_load %arg10[%parallel_loop3A_149, %parallel_loop3A_150, %parallel_loop3A_151] {strides = array<i32>} : memref<1x8x4096xf32, #tpu.memory_space<vmem>>, vector<16xf32>,
        tpu.vector_store %arg10[%parallel_loop3A_149, %parallel_loop3A_150, %parallel_loop3A_151], %parallel_loop3A_146 {strides = array<i32>} : memref<1x8x4096xf32, #tpu.memory_space<vmem>>, vector<16xf32>,
        %parallel_loop3A_153 = arith.constant 12288 : i32
        %parallel_loop3A_154 = vector.broadcast %parallel_loop3A_153 : i32 to vector<16xi32>
        %parallel_loop3A_155 = arith.addi %parallel_loop3A_92, %parallel_loop3A_154 : vector<16xi32>
        %parallel_loop3A_156 = tpu.vector_load_idx %arg7[%parallel_loop3A_155] : memref<16384xf32, #tpu.memory_space<vmem>>[vector<16xi32>], vector<16xf32>,
        %parallel_loop3A_157 = arith.constant 0 : i64
        %parallel_loop3A_158 = arith.constant 6 : i64
        %parallel_loop3A_159 = arith.index_cast %parallel_loop3A_157 : i64 to index
        %parallel_loop3A_160 = arith.index_cast %parallel_loop3A_158 : i64 to index
        %parallel_loop3A_161 = arith.index_cast %parallel_loop3A_89 : i32 to index
        %parallel_loop3A_162 = tpu.vector_load %arg10[%parallel_loop3A_159, %parallel_loop3A_160, %parallel_loop3A_161] {strides = array<i32>} : memref<1x8x4096xf32, #tpu.memory_space<vmem>>, vector<16xf32>,
        tpu.vector_store %arg10[%parallel_loop3A_159, %parallel_loop3A_160, %parallel_loop3A_161], %parallel_loop3A_156 {strides = array<i32>} : memref<1x8x4096xf32, #tpu.memory_space<vmem>>, vector<16xf32>,
        %parallel_loop3A_163 = arith.constant 14336 : i32
        %parallel_loop3A_164 = vector.broadcast %parallel_loop3A_163 : i32 to vector<16xi32>
        %parallel_loop3A_165 = arith.addi %parallel_loop3A_92, %parallel_loop3A_164 : vector<16xi32>
        %parallel_loop3A_166 = tpu.vector_load_idx %arg7[%parallel_loop3A_165] : memref<16384xf32, #tpu.memory_space<vmem>>[vector<16xi32>], vector<16xf32>,
        %parallel_loop3A_167 = arith.constant 0 : i64
        %parallel_loop3A_168 = arith.constant 7 : i64
        %parallel_loop3A_169 = arith.index_cast %parallel_loop3A_167 : i64 to index
        %parallel_loop3A_170 = arith.index_cast %parallel_loop3A_168 : i64 to index
        %parallel_loop3A_171 = arith.index_cast %parallel_loop3A_89 : i32 to index
        %parallel_loop3A_172 = tpu.vector_load %arg10[%parallel_loop3A_169, %parallel_loop3A_170, %parallel_loop3A_171] {strides = array<i32>} : memref<1x8x4096xf32, #tpu.memory_space<vmem>>, vector<16xf32>,
        tpu.vector_store %arg10[%parallel_loop3A_169, %parallel_loop3A_170, %parallel_loop3A_171], %parallel_loop3A_166 {strides = array<i32>} : memref<1x8x4096xf32, #tpu.memory_space<vmem>>, vector<16xf32>,
      } {sc.loop_unroll_factor = 8 : i64, sc.parallel_access}
      %dma_start3A_56 = arith.constant 0 : i32
      %dma_start3A_57 = tpu.memref_slice %arg5[%add3A_41, %mul3A_6, %dma_start3A_56] : memref<200x64x4096xf32, #tpu.memory_space<hbm>> -> memref<1x8x4096xf32, #tpu.memory_space<hbm>>
      %dma_start3A_58 = arith.constant 0 : i32
      %dma_start3A_59 = tpu.memref_slice %arg5[%add3A_41, %mul3A_6, %dma_start3A_58] : memref<200x64x4096xf32, #tpu.memory_space<hbm>> -> memref<1x8x4096xf32, #tpu.memory_space<hbm>>
      tpu.enqueue_dma source(%arg10 : memref<1x8x4096xf32, #tpu.memory_space<vmem>>) target(%dma_start3A_59 : memref<1x8x4096xf32, #tpu.memory_space<hbm>>) target_semaphore(%arg12 : memref<!tpu.dma_semaphore, #tpu.memory_space<semaphore_mem>>)
      %mul3A_60 = arith.constant 2 : i32
      %mul3A_61 = arith.muli %while3A_36, %mul3A_60 : i32
      %add3A_62 = arith.addi %mul3A_4, %mul3A_61 : i32
      %add3A_63 = arith.constant 1 : i32
      %add3A_64 = arith.addi %add3A_62, %add3A_63 : i32
      %dma_wait3A_65 = arith.constant 0 : i32
      %dma_wait3A_66 = tpu.memref_slice %arg2[%dma_wait3A_65] : memref<819200xi32, #tpu.memory_space<hbm>> -> memref<4096xi32, #tpu.memory_space<hbm>>
      %dma_wait3A_67 = tpu.memref_slice %arg2[%dma_wait3A_65] : memref<819200xi32, #tpu.memory_space<hbm>> -> memref<4096xi32, #tpu.memory_space<hbm>>
      tpu.wait_dma2 semaphore(%arg15 : memref<!tpu.dma_semaphore, #tpu.memory_space<semaphore_mem>>) src(%dma_wait3A_67 : memref<4096xi32, #tpu.memory_space<hbm>>) dst(%arg9 : memref<4096xi32, #tpu.memory_space<vmem>>)
      %add3A_68 = arith.constant 1 : i32
      %add3A_69 = arith.addi %add3A_64, %add3A_68 : i32
      %min3A_70 = arith.minsi %add3A_69, %add3A_8 : i32
      %mul3A_71 = arith.constant 4096 : i32
      %mul3A_72 = arith.muli %min3A_70, %mul3A_71 : i32
      %dma_start3A_73 = tpu.memref_slice %arg2[%mul3A_72] : memref<819200xi32, #tpu.memory_space<hbm>> -> memref<4096xi32, #tpu.memory_space<hbm>>
      %dma_start3A_74 = tpu.memref_slice %arg2[%mul3A_72] : memref<819200xi32, #tpu.memory_space<hbm>> -> memref<4096xi32, #tpu.memory_space<hbm>>
      tpu.enqueue_dma source(%dma_start3A_74 : memref<4096xi32, #tpu.memory_space<hbm>>) target(%arg8 : memref<4096xi32, #tpu.memory_space<vmem>>) target_semaphore(%arg14 : memref<!tpu.dma_semaphore, #tpu.memory_space<semaphore_mem>>)
      %gt3A_75 = arith.constant 0 : i32
      %gt3A_76 = arith.cmpi sgt, %while3A_36, %gt3A_75 : i32
      %convert_element_type3A_77 = arith.extui %gt3A_76 : i1 to i32
      %cond3A_78 = arith.constant 0 : i32
      %cond3A_79 = arith.cmpi ne, %convert_element_type3A_77, %cond3A_78 : i32
      scf.if %cond3A_79 {
        %dma_wait3A_87 = arith.constant 0 : i32
        %dma_wait3A_88 = arith.constant 0 : i32
        %dma_wait3A_89 = arith.constant 0 : i32
        %dma_wait3A_90 = tpu.memref_slice %arg5[%dma_wait3A_87, %dma_wait3A_88, %dma_wait3A_89] : memref<200x64x4096xf32, #tpu.memory_space<hbm>> -> memref<1x8x4096xf32, #tpu.memory_space<hbm>>
        %dma_wait3A_91 = arith.constant 0 : i32
        %dma_wait3A_92 = tpu.memref_slice %arg5[%dma_wait3A_87, %dma_wait3A_88, %dma_wait3A_91] : memref<200x64x4096xf32, #tpu.memory_space<hbm>> -> memref<1x8x4096xf32, #tpu.memory_space<hbm>>
        tpu.wait_dma2 semaphore(%arg13 : memref<!tpu.dma_semaphore, #tpu.memory_space<semaphore_mem>>) src(%arg11 : memref<1x8x4096xf32, #tpu.memory_space<vmem>>) dst(%dma_wait3A_92 : memref<1x8x4096xf32, #tpu.memory_space<hbm>>)
      } else {
      }
      %parallel_loop3A_80 = arith.constant 0 : i32
      %parallel_loop3A_81 = arith.constant 256 : i32
      %parallel_loop3A_82 = arith.constant 1 : i32
      scf.for %parallel_loop3A_87 = %parallel_loop3A_80 to %parallel_loop3A_81 step %parallel_loop3A_82  : i32 {
        %parallel_loop3A_88 = arith.constant 16 : i32
        %parallel_loop3A_89 = arith.muli %parallel_loop3A_87, %parallel_loop3A_88 : i32
        %parallel_loop3A_90 = arith.index_cast %parallel_loop3A_89 : i32 to index
        %parallel_loop3A_91 = tpu.vector_load %arg9[%parallel_loop3A_90] {strides = array<i32>} : memref<4096xi32, #tpu.memory_space<vmem>>, vector<16xi32>,
        %parallel_loop3A_92 = tpu.vector_load_idx %arg6[%parallel_loop3A_91] : memref<20000xi32, #tpu.memory_space<vmem>>[vector<16xi32>], vector<16xi32>,
        %parallel_loop3A_93 = arith.constant 0 : i32
        %parallel_loop3A_94 = vector.broadcast %parallel_loop3A_93 : i32 to vector<16xi32>
        %parallel_loop3A_95 = arith.addi %parallel_loop3A_92, %parallel_loop3A_94 : vector<16xi32>
        %parallel_loop3A_96 = tpu.vector_load_idx %arg7[%parallel_loop3A_95] : memref<16384xf32, #tpu.memory_space<vmem>>[vector<16xi32>], vector<16xf32>,
        %parallel_loop3A_97 = arith.constant 0 : i64
        %parallel_loop3A_98 = arith.constant 0 : i64
        %parallel_loop3A_99 = arith.index_cast %parallel_loop3A_97 : i64 to index
        %parallel_loop3A_100 = arith.index_cast %parallel_loop3A_98 : i64 to index
        %parallel_loop3A_101 = arith.index_cast %parallel_loop3A_89 : i32 to index
        %parallel_loop3A_102 = tpu.vector_load %arg11[%parallel_loop3A_99, %parallel_loop3A_100, %parallel_loop3A_101] {strides = array<i32>} : memref<1x8x4096xf32, #tpu.memory_space<vmem>>, vector<16xf32>,
        tpu.vector_store %arg11[%parallel_loop3A_99, %parallel_loop3A_100, %parallel_loop3A_101], %parallel_loop3A_96 {strides = array<i32>} : memref<1x8x4096xf32, #tpu.memory_space<vmem>>, vector<16xf32>,
        %parallel_loop3A_103 = arith.constant 2048 : i32
        %parallel_loop3A_104 = vector.broadcast %parallel_loop3A_103 : i32 to vector<16xi32>
        %parallel_loop3A_105 = arith.addi %parallel_loop3A_92, %parallel_loop3A_104 : vector<16xi32>
        %parallel_loop3A_106 = tpu.vector_load_idx %arg7[%parallel_loop3A_105] : memref<16384xf32, #tpu.memory_space<vmem>>[vector<16xi32>], vector<16xf32>,
        %parallel_loop3A_107 = arith.constant 0 : i64
        %parallel_loop3A_108 = arith.constant 1 : i64
        %parallel_loop3A_109 = arith.index_cast %parallel_loop3A_107 : i64 to index
        %parallel_loop3A_110 = arith.index_cast %parallel_loop3A_108 : i64 to index
        %parallel_loop3A_111 = arith.index_cast %parallel_loop3A_89 : i32 to index
        %parallel_loop3A_112 = tpu.vector_load %arg11[%parallel_loop3A_109, %parallel_loop3A_110, %parallel_loop3A_111] {strides = array<i32>} : memref<1x8x4096xf32, #tpu.memory_space<vmem>>, vector<16xf32>,
        tpu.vector_store %arg11[%parallel_loop3A_109, %parallel_loop3A_110, %parallel_loop3A_111], %parallel_loop3A_106 {strides = array<i32>} : memref<1x8x4096xf32, #tpu.memory_space<vmem>>, vector<16xf32>,
        %parallel_loop3A_113 = arith.constant 4096 : i32
        %parallel_loop3A_114 = vector.broadcast %parallel_loop3A_113 : i32 to vector<16xi32>
        %parallel_loop3A_115 = arith.addi %parallel_loop3A_92, %parallel_loop3A_114 : vector<16xi32>
        %parallel_loop3A_116 = tpu.vector_load_idx %arg7[%parallel_loop3A_115] : memref<16384xf32, #tpu.memory_space<vmem>>[vector<16xi32>], vector<16xf32>,
        %parallel_loop3A_117 = arith.constant 0 : i64
        %parallel_loop3A_118 = arith.constant 2 : i64
        %parallel_loop3A_119 = arith.index_cast %parallel_loop3A_117 : i64 to index
        %parallel_loop3A_120 = arith.index_cast %parallel_loop3A_118 : i64 to index
        %parallel_loop3A_121 = arith.index_cast %parallel_loop3A_89 : i32 to index
        %parallel_loop3A_122 = tpu.vector_load %arg11[%parallel_loop3A_119, %parallel_loop3A_120, %parallel_loop3A_121] {strides = array<i32>} : memref<1x8x4096xf32, #tpu.memory_space<vmem>>, vector<16xf32>,
        tpu.vector_store %arg11[%parallel_loop3A_119, %parallel_loop3A_120, %parallel_loop3A_121], %parallel_loop3A_116 {strides = array<i32>} : memref<1x8x4096xf32, #tpu.memory_space<vmem>>, vector<16xf32>,
        %parallel_loop3A_123 = arith.constant 6144 : i32
        %parallel_loop3A_124 = vector.broadcast %parallel_loop3A_123 : i32 to vector<16xi32>
        %parallel_loop3A_125 = arith.addi %parallel_loop3A_92, %parallel_loop3A_124 : vector<16xi32>
        %parallel_loop3A_126 = tpu.vector_load_idx %arg7[%parallel_loop3A_125] : memref<16384xf32, #tpu.memory_space<vmem>>[vector<16xi32>], vector<16xf32>,
        %parallel_loop3A_127 = arith.constant 0 : i64
        %parallel_loop3A_128 = arith.constant 3 : i64
        %parallel_loop3A_129 = arith.index_cast %parallel_loop3A_127 : i64 to index
        %parallel_loop3A_130 = arith.index_cast %parallel_loop3A_128 : i64 to index
        %parallel_loop3A_131 = arith.index_cast %parallel_loop3A_89 : i32 to index
        %parallel_loop3A_132 = tpu.vector_load %arg11[%parallel_loop3A_129, %parallel_loop3A_130, %parallel_loop3A_131] {strides = array<i32>} : memref<1x8x4096xf32, #tpu.memory_space<vmem>>, vector<16xf32>,
        tpu.vector_store %arg11[%parallel_loop3A_129, %parallel_loop3A_130, %parallel_loop3A_131], %parallel_loop3A_126 {strides = array<i32>} : memref<1x8x4096xf32, #tpu.memory_space<vmem>>, vector<16xf32>,
        %parallel_loop3A_133 = arith.constant 8192 : i32
        %parallel_loop3A_134 = vector.broadcast %parallel_loop3A_133 : i32 to vector<16xi32>
        %parallel_loop3A_135 = arith.addi %parallel_loop3A_92, %parallel_loop3A_134 : vector<16xi32>
        %parallel_loop3A_136 = tpu.vector_load_idx %arg7[%parallel_loop3A_135] : memref<16384xf32, #tpu.memory_space<vmem>>[vector<16xi32>], vector<16xf32>,
        %parallel_loop3A_137 = arith.constant 0 : i64
        %parallel_loop3A_138 = arith.constant 4 : i64
        %parallel_loop3A_139 = arith.index_cast %parallel_loop3A_137 : i64 to index
        %parallel_loop3A_140 = arith.index_cast %parallel_loop3A_138 : i64 to index
        %parallel_loop3A_141 = arith.index_cast %parallel_loop3A_89 : i32 to index
        %parallel_loop3A_142 = tpu.vector_load %arg11[%parallel_loop3A_139, %parallel_loop3A_140, %parallel_loop3A_141] {strides = array<i32>} : memref<1x8x4096xf32, #tpu.memory_space<vmem>>, vector<16xf32>,
        tpu.vector_store %arg11[%parallel_loop3A_139, %parallel_loop3A_140, %parallel_loop3A_141], %parallel_loop3A_136 {strides = array<i32>} : memref<1x8x4096xf32, #tpu.memory_space<vmem>>, vector<16xf32>,
        %parallel_loop3A_143 = arith.constant 10240 : i32
        %parallel_loop3A_144 = vector.broadcast %parallel_loop3A_143 : i32 to vector<16xi32>
        %parallel_loop3A_145 = arith.addi %parallel_loop3A_92, %parallel_loop3A_144 : vector<16xi32>
        %parallel_loop3A_146 = tpu.vector_load_idx %arg7[%parallel_loop3A_145] : memref<16384xf32, #tpu.memory_space<vmem>>[vector<16xi32>], vector<16xf32>,
        %parallel_loop3A_147 = arith.constant 0 : i64
        %parallel_loop3A_148 = arith.constant 5 : i64
        %parallel_loop3A_149 = arith.index_cast %parallel_loop3A_147 : i64 to index
        %parallel_loop3A_150 = arith.index_cast %parallel_loop3A_148 : i64 to index
        %parallel_loop3A_151 = arith.index_cast %parallel_loop3A_89 : i32 to index
        %parallel_loop3A_152 = tpu.vector_load %arg11[%parallel_loop3A_149, %parallel_loop3A_150, %parallel_loop3A_151] {strides = array<i32>} : memref<1x8x4096xf32, #tpu.memory_space<vmem>>, vector<16xf32>,
        tpu.vector_store %arg11[%parallel_loop3A_149, %parallel_loop3A_150, %parallel_loop3A_151], %parallel_loop3A_146 {strides = array<i32>} : memref<1x8x4096xf32, #tpu.memory_space<vmem>>, vector<16xf32>,
        %parallel_loop3A_153 = arith.constant 12288 : i32
        %parallel_loop3A_154 = vector.broadcast %parallel_loop3A_153 : i32 to vector<16xi32>
        %parallel_loop3A_155 = arith.addi %parallel_loop3A_92, %parallel_loop3A_154 : vector<16xi32>
        %parallel_loop3A_156 = tpu.vector_load_idx %arg7[%parallel_loop3A_155] : memref<16384xf32, #tpu.memory_space<vmem>>[vector<16xi32>], vector<16xf32>,
        %parallel_loop3A_157 = arith.constant 0 : i64
        %parallel_loop3A_158 = arith.constant 6 : i64
        %parallel_loop3A_159 = arith.index_cast %parallel_loop3A_157 : i64 to index
        %parallel_loop3A_160 = arith.index_cast %parallel_loop3A_158 : i64 to index
        %parallel_loop3A_161 = arith.index_cast %parallel_loop3A_89 : i32 to index
        %parallel_loop3A_162 = tpu.vector_load %arg11[%parallel_loop3A_159, %parallel_loop3A_160, %parallel_loop3A_161] {strides = array<i32>} : memref<1x8x4096xf32, #tpu.memory_space<vmem>>, vector<16xf32>,
        tpu.vector_store %arg11[%parallel_loop3A_159, %parallel_loop3A_160, %parallel_loop3A_161], %parallel_loop3A_156 {strides = array<i32>} : memref<1x8x4096xf32, #tpu.memory_space<vmem>>, vector<16xf32>,
        %parallel_loop3A_163 = arith.constant 14336 : i32
        %parallel_loop3A_164 = vector.broadcast %parallel_loop3A_163 : i32 to vector<16xi32>
        %parallel_loop3A_165 = arith.addi %parallel_loop3A_92, %parallel_loop3A_164 : vector<16xi32>
        %parallel_loop3A_166 = tpu.vector_load_idx %arg7[%parallel_loop3A_165] : memref<16384xf32, #tpu.memory_space<vmem>>[vector<16xi32>], vector<16xf32>,
        %parallel_loop3A_167 = arith.constant 0 : i64
        %parallel_loop3A_168 = arith.constant 7 : i64
        %parallel_loop3A_169 = arith.index_cast %parallel_loop3A_167 : i64 to index
        %parallel_loop3A_170 = arith.index_cast %parallel_loop3A_168 : i64 to index
        %parallel_loop3A_171 = arith.index_cast %parallel_loop3A_89 : i32 to index
        %parallel_loop3A_172 = tpu.vector_load %arg11[%parallel_loop3A_169, %parallel_loop3A_170, %parallel_loop3A_171] {strides = array<i32>} : memref<1x8x4096xf32, #tpu.memory_space<vmem>>, vector<16xf32>,
        tpu.vector_store %arg11[%parallel_loop3A_169, %parallel_loop3A_170, %parallel_loop3A_171], %parallel_loop3A_166 {strides = array<i32>} : memref<1x8x4096xf32, #tpu.memory_space<vmem>>, vector<16xf32>,
      } {sc.loop_unroll_factor = 8 : i64, sc.parallel_access}
      %dma_start3A_83 = arith.constant 0 : i32
      %dma_start3A_84 = tpu.memref_slice %arg5[%add3A_64, %mul3A_6, %dma_start3A_83] : memref<200x64x4096xf32, #tpu.memory_space<hbm>> -> memref<1x8x4096xf32, #tpu.memory_space<hbm>>
      %dma_start3A_85 = arith.constant 0 : i32
      %dma_start3A_86 = tpu.memref_slice %arg5[%add3A_64, %mul3A_6, %dma_start3A_85] : memref<200x64x4096xf32, #tpu.memory_space<hbm>> -> memref<1x8x4096xf32, #tpu.memory_space<hbm>>
      tpu.enqueue_dma source(%arg11 : memref<1x8x4096xf32, #tpu.memory_space<vmem>>) target(%dma_start3A_86 : memref<1x8x4096xf32, #tpu.memory_space<hbm>>) target_semaphore(%arg13 : memref<!tpu.dma_semaphore, #tpu.memory_space<semaphore_mem>>)
    }
    %while3A_21 = arith.constant 1 : i32
    scf.for %while3A_36 = %while3A_19 to %while3A_15 step %while3A_21  : i32 {
      %mul3A_37 = arith.constant 2 : i32
      %mul3A_38 = arith.muli %while3A_36, %mul3A_37 : i32
      %add3A_39 = arith.addi %mul3A_4, %mul3A_38 : i32
      %add3A_40 = arith.constant 0 : i32
      %add3A_41 = arith.addi %add3A_39, %add3A_40 : i32
      %gt3A = arith.constant 0 : i32
      %gt3A_42 = arith.cmpi sgt, %while3A_36, %gt3A : i32
      %convert_element_type3A = arith.extui %gt3A_42 : i1 to i32
      %cond3A = arith.constant 0 : i32
      %cond3A_43 = arith.cmpi ne, %convert_element_type3A, %cond3A : i32
      scf.if %cond3A_43 {
        %dma_wait3A_87 = arith.constant 0 : i32
        %dma_wait3A_88 = tpu.memref_slice %arg2[%dma_wait3A_87] : memref<819200xi32, #tpu.memory_space<hbm>> -> memref<4096xi32, #tpu.memory_space<hbm>>
        %dma_wait3A_89 = tpu.memref_slice %arg2[%dma_wait3A_87] : memref<819200xi32, #tpu.memory_space<hbm>> -> memref<4096xi32, #tpu.memory_space<hbm>>
        tpu.wait_dma2 semaphore(%arg14 : memref<!tpu.dma_semaphore, #tpu.memory_space<semaphore_mem>>) src(%dma_wait3A_89 : memref<4096xi32, #tpu.memory_space<hbm>>) dst(%arg8 : memref<4096xi32, #tpu.memory_space<vmem>>)
      } else {
      }
      %add3A_44 = arith.constant 1 : i32
      %add3A_45 = arith.addi %add3A_41, %add3A_44 : i32
      %min3A = arith.minsi %add3A_45, %add3A_8 : i32
      %mul3A_46 = arith.constant 4096 : i32
      %mul3A_47 = arith.muli %min3A, %mul3A_46 : i32
      %dma_start3A = tpu.memref_slice %arg2[%mul3A_47] : memref<819200xi32, #tpu.memory_space<hbm>> -> memref<4096xi32, #tpu.memory_space<hbm>>
      %dma_start3A_48 = tpu.memref_slice %arg2[%mul3A_47] : memref<819200xi32, #tpu.memory_space<hbm>> -> memref<4096xi32, #tpu.memory_space<hbm>>
      tpu.enqueue_dma source(%dma_start3A_48 : memref<4096xi32, #tpu.memory_space<hbm>>) target(%arg9 : memref<4096xi32, #tpu.memory_space<vmem>>) target_semaphore(%arg15 : memref<!tpu.dma_semaphore, #tpu.memory_space<semaphore_mem>>)
      %gt3A_49 = arith.constant 0 : i32
      %gt3A_50 = arith.cmpi sgt, %while3A_36, %gt3A_49 : i32
      %convert_element_type3A_51 = arith.extui %gt3A_50 : i1 to i32
      %cond3A_52 = arith.constant 0 : i32
      %cond3A_53 = arith.cmpi ne, %convert_element_type3A_51, %cond3A_52 : i32
      scf.if %cond3A_53 {
        %dma_wait3A_87 = arith.constant 0 : i32
        %dma_wait3A_88 = arith.constant 0 : i32
        %dma_wait3A_89 = arith.constant 0 : i32
        %dma_wait3A_90 = tpu.memref_slice %arg5[%dma_wait3A_87, %dma_wait3A_88, %dma_wait3A_89] : memref<200x64x4096xf32, #tpu.memory_space<hbm>> -> memref<1x8x4096xf32, #tpu.memory_space<hbm>>
        %dma_wait3A_91 = arith.constant 0 : i32
        %dma_wait3A_92 = tpu.memref_slice %arg5[%dma_wait3A_87, %dma_wait3A_88, %dma_wait3A_91] : memref<200x64x4096xf32, #tpu.memory_space<hbm>> -> memref<1x8x4096xf32, #tpu.memory_space<hbm>>
        tpu.wait_dma2 semaphore(%arg12 : memref<!tpu.dma_semaphore, #tpu.memory_space<semaphore_mem>>) src(%arg10 : memref<1x8x4096xf32, #tpu.memory_space<vmem>>) dst(%dma_wait3A_92 : memref<1x8x4096xf32, #tpu.memory_space<hbm>>)
      } else {
      }
      %parallel_loop3A = arith.constant 0 : i32
      %parallel_loop3A_54 = arith.constant 256 : i32
      %parallel_loop3A_55 = arith.constant 1 : i32
      scf.for %parallel_loop3A_87 = %parallel_loop3A to %parallel_loop3A_54 step %parallel_loop3A_55  : i32 {
        %parallel_loop3A_88 = arith.constant 16 : i32
        %parallel_loop3A_89 = arith.muli %parallel_loop3A_87, %parallel_loop3A_88 : i32
        %parallel_loop3A_90 = arith.index_cast %parallel_loop3A_89 : i32 to index
        %parallel_loop3A_91 = tpu.vector_load %arg8[%parallel_loop3A_90] {strides = array<i32>} : memref<4096xi32, #tpu.memory_space<vmem>>, vector<16xi32>,
        %parallel_loop3A_92 = tpu.vector_load_idx %arg6[%parallel_loop3A_91] : memref<20000xi32, #tpu.memory_space<vmem>>[vector<16xi32>], vector<16xi32>,
        %parallel_loop3A_93 = arith.constant 0 : i32
        %parallel_loop3A_94 = vector.broadcast %parallel_loop3A_93 : i32 to vector<16xi32>
        %parallel_loop3A_95 = arith.addi %parallel_loop3A_92, %parallel_loop3A_94 : vector<16xi32>
        %parallel_loop3A_96 = tpu.vector_load_idx %arg7[%parallel_loop3A_95] : memref<16384xf32, #tpu.memory_space<vmem>>[vector<16xi32>], vector<16xf32>,
        %parallel_loop3A_97 = arith.constant 0 : i64
        %parallel_loop3A_98 = arith.constant 0 : i64
        %parallel_loop3A_99 = arith.index_cast %parallel_loop3A_97 : i64 to index
        %parallel_loop3A_100 = arith.index_cast %parallel_loop3A_98 : i64 to index
        %parallel_loop3A_101 = arith.index_cast %parallel_loop3A_89 : i32 to index
        %parallel_loop3A_102 = tpu.vector_load %arg10[%parallel_loop3A_99, %parallel_loop3A_100, %parallel_loop3A_101] {strides = array<i32>} : memref<1x8x4096xf32, #tpu.memory_space<vmem>>, vector<16xf32>,
        tpu.vector_store %arg10[%parallel_loop3A_99, %parallel_loop3A_100, %parallel_loop3A_101], %parallel_loop3A_96 {strides = array<i32>} : memref<1x8x4096xf32, #tpu.memory_space<vmem>>, vector<16xf32>,
        %parallel_loop3A_103 = arith.constant 2048 : i32
        %parallel_loop3A_104 = vector.broadcast %parallel_loop3A_103 : i32 to vector<16xi32>
        %parallel_loop3A_105 = arith.addi %parallel_loop3A_92, %parallel_loop3A_104 : vector<16xi32>
        %parallel_loop3A_106 = tpu.vector_load_idx %arg7[%parallel_loop3A_105] : memref<16384xf32, #tpu.memory_space<vmem>>[vector<16xi32>], vector<16xf32>,
        %parallel_loop3A_107 = arith.constant 0 : i64
        %parallel_loop3A_108 = arith.constant 1 : i64
        %parallel_loop3A_109 = arith.index_cast %parallel_loop3A_107 : i64 to index
        %parallel_loop3A_110 = arith.index_cast %parallel_loop3A_108 : i64 to index
        %parallel_loop3A_111 = arith.index_cast %parallel_loop3A_89 : i32 to index
        %parallel_loop3A_112 = tpu.vector_load %arg10[%parallel_loop3A_109, %parallel_loop3A_110, %parallel_loop3A_111] {strides = array<i32>} : memref<1x8x4096xf32, #tpu.memory_space<vmem>>, vector<16xf32>,
        tpu.vector_store %arg10[%parallel_loop3A_109, %parallel_loop3A_110, %parallel_loop3A_111], %parallel_loop3A_106 {strides = array<i32>} : memref<1x8x4096xf32, #tpu.memory_space<vmem>>, vector<16xf32>,
        %parallel_loop3A_113 = arith.constant 4096 : i32
        %parallel_loop3A_114 = vector.broadcast %parallel_loop3A_113 : i32 to vector<16xi32>
        %parallel_loop3A_115 = arith.addi %parallel_loop3A_92, %parallel_loop3A_114 : vector<16xi32>
        %parallel_loop3A_116 = tpu.vector_load_idx %arg7[%parallel_loop3A_115] : memref<16384xf32, #tpu.memory_space<vmem>>[vector<16xi32>], vector<16xf32>,
        %parallel_loop3A_117 = arith.constant 0 : i64
        %parallel_loop3A_118 = arith.constant 2 : i64
        %parallel_loop3A_119 = arith.index_cast %parallel_loop3A_117 : i64 to index
        %parallel_loop3A_120 = arith.index_cast %parallel_loop3A_118 : i64 to index
        %parallel_loop3A_121 = arith.index_cast %parallel_loop3A_89 : i32 to index
        %parallel_loop3A_122 = tpu.vector_load %arg10[%parallel_loop3A_119, %parallel_loop3A_120, %parallel_loop3A_121] {strides = array<i32>} : memref<1x8x4096xf32, #tpu.memory_space<vmem>>, vector<16xf32>,
        tpu.vector_store %arg10[%parallel_loop3A_119, %parallel_loop3A_120, %parallel_loop3A_121], %parallel_loop3A_116 {strides = array<i32>} : memref<1x8x4096xf32, #tpu.memory_space<vmem>>, vector<16xf32>,
        %parallel_loop3A_123 = arith.constant 6144 : i32
        %parallel_loop3A_124 = vector.broadcast %parallel_loop3A_123 : i32 to vector<16xi32>
        %parallel_loop3A_125 = arith.addi %parallel_loop3A_92, %parallel_loop3A_124 : vector<16xi32>
        %parallel_loop3A_126 = tpu.vector_load_idx %arg7[%parallel_loop3A_125] : memref<16384xf32, #tpu.memory_space<vmem>>[vector<16xi32>], vector<16xf32>,
        %parallel_loop3A_127 = arith.constant 0 : i64
        %parallel_loop3A_128 = arith.constant 3 : i64
        %parallel_loop3A_129 = arith.index_cast %parallel_loop3A_127 : i64 to index
        %parallel_loop3A_130 = arith.index_cast %parallel_loop3A_128 : i64 to index
        %parallel_loop3A_131 = arith.index_cast %parallel_loop3A_89 : i32 to index
        %parallel_loop3A_132 = tpu.vector_load %arg10[%parallel_loop3A_129, %parallel_loop3A_130, %parallel_loop3A_131] {strides = array<i32>} : memref<1x8x4096xf32, #tpu.memory_space<vmem>>, vector<16xf32>,
        tpu.vector_store %arg10[%parallel_loop3A_129, %parallel_loop3A_130, %parallel_loop3A_131], %parallel_loop3A_126 {strides = array<i32>} : memref<1x8x4096xf32, #tpu.memory_space<vmem>>, vector<16xf32>,
        %parallel_loop3A_133 = arith.constant 8192 : i32
        %parallel_loop3A_134 = vector.broadcast %parallel_loop3A_133 : i32 to vector<16xi32>
        %parallel_loop3A_135 = arith.addi %parallel_loop3A_92, %parallel_loop3A_134 : vector<16xi32>
        %parallel_loop3A_136 = tpu.vector_load_idx %arg7[%parallel_loop3A_135] : memref<16384xf32, #tpu.memory_space<vmem>>[vector<16xi32>], vector<16xf32>,
        %parallel_loop3A_137 = arith.constant 0 : i64
        %parallel_loop3A_138 = arith.constant 4 : i64
        %parallel_loop3A_139 = arith.index_cast %parallel_loop3A_137 : i64 to index
        %parallel_loop3A_140 = arith.index_cast %parallel_loop3A_138 : i64 to index
        %parallel_loop3A_141 = arith.index_cast %parallel_loop3A_89 : i32 to index
        %parallel_loop3A_142 = tpu.vector_load %arg10[%parallel_loop3A_139, %parallel_loop3A_140, %parallel_loop3A_141] {strides = array<i32>} : memref<1x8x4096xf32, #tpu.memory_space<vmem>>, vector<16xf32>,
        tpu.vector_store %arg10[%parallel_loop3A_139, %parallel_loop3A_140, %parallel_loop3A_141], %parallel_loop3A_136 {strides = array<i32>} : memref<1x8x4096xf32, #tpu.memory_space<vmem>>, vector<16xf32>,
        %parallel_loop3A_143 = arith.constant 10240 : i32
        %parallel_loop3A_144 = vector.broadcast %parallel_loop3A_143 : i32 to vector<16xi32>
        %parallel_loop3A_145 = arith.addi %parallel_loop3A_92, %parallel_loop3A_144 : vector<16xi32>
        %parallel_loop3A_146 = tpu.vector_load_idx %arg7[%parallel_loop3A_145] : memref<16384xf32, #tpu.memory_space<vmem>>[vector<16xi32>], vector<16xf32>,
        %parallel_loop3A_147 = arith.constant 0 : i64
        %parallel_loop3A_148 = arith.constant 5 : i64
        %parallel_loop3A_149 = arith.index_cast %parallel_loop3A_147 : i64 to index
        %parallel_loop3A_150 = arith.index_cast %parallel_loop3A_148 : i64 to index
        %parallel_loop3A_151 = arith.index_cast %parallel_loop3A_89 : i32 to index
        %parallel_loop3A_152 = tpu.vector_load %arg10[%parallel_loop3A_149, %parallel_loop3A_150, %parallel_loop3A_151] {strides = array<i32>} : memref<1x8x4096xf32, #tpu.memory_space<vmem>>, vector<16xf32>,
        tpu.vector_store %arg10[%parallel_loop3A_149, %parallel_loop3A_150, %parallel_loop3A_151], %parallel_loop3A_146 {strides = array<i32>} : memref<1x8x4096xf32, #tpu.memory_space<vmem>>, vector<16xf32>,
        %parallel_loop3A_153 = arith.constant 12288 : i32
        %parallel_loop3A_154 = vector.broadcast %parallel_loop3A_153 : i32 to vector<16xi32>
        %parallel_loop3A_155 = arith.addi %parallel_loop3A_92, %parallel_loop3A_154 : vector<16xi32>
        %parallel_loop3A_156 = tpu.vector_load_idx %arg7[%parallel_loop3A_155] : memref<16384xf32, #tpu.memory_space<vmem>>[vector<16xi32>], vector<16xf32>,
        %parallel_loop3A_157 = arith.constant 0 : i64
        %parallel_loop3A_158 = arith.constant 6 : i64
        %parallel_loop3A_159 = arith.index_cast %parallel_loop3A_157 : i64 to index
        %parallel_loop3A_160 = arith.index_cast %parallel_loop3A_158 : i64 to index
        %parallel_loop3A_161 = arith.index_cast %parallel_loop3A_89 : i32 to index
        %parallel_loop3A_162 = tpu.vector_load %arg10[%parallel_loop3A_159, %parallel_loop3A_160, %parallel_loop3A_161] {strides = array<i32>} : memref<1x8x4096xf32, #tpu.memory_space<vmem>>, vector<16xf32>,
        tpu.vector_store %arg10[%parallel_loop3A_159, %parallel_loop3A_160, %parallel_loop3A_161], %parallel_loop3A_156 {strides = array<i32>} : memref<1x8x4096xf32, #tpu.memory_space<vmem>>, vector<16xf32>,
        %parallel_loop3A_163 = arith.constant 14336 : i32
        %parallel_loop3A_164 = vector.broadcast %parallel_loop3A_163 : i32 to vector<16xi32>
        %parallel_loop3A_165 = arith.addi %parallel_loop3A_92, %parallel_loop3A_164 : vector<16xi32>
        %parallel_loop3A_166 = tpu.vector_load_idx %arg7[%parallel_loop3A_165] : memref<16384xf32, #tpu.memory_space<vmem>>[vector<16xi32>], vector<16xf32>,
        %parallel_loop3A_167 = arith.constant 0 : i64
        %parallel_loop3A_168 = arith.constant 7 : i64
        %parallel_loop3A_169 = arith.index_cast %parallel_loop3A_167 : i64 to index
        %parallel_loop3A_170 = arith.index_cast %parallel_loop3A_168 : i64 to index
        %parallel_loop3A_171 = arith.index_cast %parallel_loop3A_89 : i32 to index
        %parallel_loop3A_172 = tpu.vector_load %arg10[%parallel_loop3A_169, %parallel_loop3A_170, %parallel_loop3A_171] {strides = array<i32>} : memref<1x8x4096xf32, #tpu.memory_space<vmem>>, vector<16xf32>,
        tpu.vector_store %arg10[%parallel_loop3A_169, %parallel_loop3A_170, %parallel_loop3A_171], %parallel_loop3A_166 {strides = array<i32>} : memref<1x8x4096xf32, #tpu.memory_space<vmem>>, vector<16xf32>,
      } {sc.loop_unroll_factor = 8 : i64, sc.parallel_access}
      %dma_start3A_56 = arith.constant 0 : i32
      %dma_start3A_57 = tpu.memref_slice %arg5[%add3A_41, %mul3A_6, %dma_start3A_56] : memref<200x64x4096xf32, #tpu.memory_space<hbm>> -> memref<1x8x4096xf32, #tpu.memory_space<hbm>>
      %dma_start3A_58 = arith.constant 0 : i32
      %dma_start3A_59 = tpu.memref_slice %arg5[%add3A_41, %mul3A_6, %dma_start3A_58] : memref<200x64x4096xf32, #tpu.memory_space<hbm>> -> memref<1x8x4096xf32, #tpu.memory_space<hbm>>
      tpu.enqueue_dma source(%arg10 : memref<1x8x4096xf32, #tpu.memory_space<vmem>>) target(%dma_start3A_59 : memref<1x8x4096xf32, #tpu.memory_space<hbm>>) target_semaphore(%arg12 : memref<!tpu.dma_semaphore, #tpu.memory_space<semaphore_mem>>)
      %mul3A_60 = arith.constant 2 : i32
      %mul3A_61 = arith.muli %while3A_36, %mul3A_60 : i32
      %add3A_62 = arith.addi %mul3A_4, %mul3A_61 : i32
      %add3A_63 = arith.constant 1 : i32
      %add3A_64 = arith.addi %add3A_62, %add3A_63 : i32
      %dma_wait3A_65 = arith.constant 0 : i32
      %dma_wait3A_66 = tpu.memref_slice %arg2[%dma_wait3A_65] : memref<819200xi32, #tpu.memory_space<hbm>> -> memref<4096xi32, #tpu.memory_space<hbm>>
      %dma_wait3A_67 = tpu.memref_slice %arg2[%dma_wait3A_65] : memref<819200xi32, #tpu.memory_space<hbm>> -> memref<4096xi32, #tpu.memory_space<hbm>>
      tpu.wait_dma2 semaphore(%arg15 : memref<!tpu.dma_semaphore, #tpu.memory_space<semaphore_mem>>) src(%dma_wait3A_67 : memref<4096xi32, #tpu.memory_space<hbm>>) dst(%arg9 : memref<4096xi32, #tpu.memory_space<vmem>>)
      %add3A_68 = arith.constant 1 : i32
      %add3A_69 = arith.addi %add3A_64, %add3A_68 : i32
      %min3A_70 = arith.minsi %add3A_69, %add3A_8 : i32
      %mul3A_71 = arith.constant 4096 : i32
      %mul3A_72 = arith.muli %min3A_70, %mul3A_71 : i32
      %dma_start3A_73 = tpu.memref_slice %arg2[%mul3A_72] : memref<819200xi32, #tpu.memory_space<hbm>> -> memref<4096xi32, #tpu.memory_space<hbm>>
      %dma_start3A_74 = tpu.memref_slice %arg2[%mul3A_72] : memref<819200xi32, #tpu.memory_space<hbm>> -> memref<4096xi32, #tpu.memory_space<hbm>>
      tpu.enqueue_dma source(%dma_start3A_74 : memref<4096xi32, #tpu.memory_space<hbm>>) target(%arg8 : memref<4096xi32, #tpu.memory_space<vmem>>) target_semaphore(%arg14 : memref<!tpu.dma_semaphore, #tpu.memory_space<semaphore_mem>>)
      %gt3A_75 = arith.constant 0 : i32
      %gt3A_76 = arith.cmpi sgt, %while3A_36, %gt3A_75 : i32
      %convert_element_type3A_77 = arith.extui %gt3A_76 : i1 to i32
      %cond3A_78 = arith.constant 0 : i32
      %cond3A_79 = arith.cmpi ne, %convert_element_type3A_77, %cond3A_78 : i32
      scf.if %cond3A_79 {
        %dma_wait3A_87 = arith.constant 0 : i32
        %dma_wait3A_88 = arith.constant 0 : i32
        %dma_wait3A_89 = arith.constant 0 : i32
        %dma_wait3A_90 = tpu.memref_slice %arg5[%dma_wait3A_87, %dma_wait3A_88, %dma_wait3A_89] : memref<200x64x4096xf32, #tpu.memory_space<hbm>> -> memref<1x8x4096xf32, #tpu.memory_space<hbm>>
        %dma_wait3A_91 = arith.constant 0 : i32
        %dma_wait3A_92 = tpu.memref_slice %arg5[%dma_wait3A_87, %dma_wait3A_88, %dma_wait3A_91] : memref<200x64x4096xf32, #tpu.memory_space<hbm>> -> memref<1x8x4096xf32, #tpu.memory_space<hbm>>
        tpu.wait_dma2 semaphore(%arg13 : memref<!tpu.dma_semaphore, #tpu.memory_space<semaphore_mem>>) src(%arg11 : memref<1x8x4096xf32, #tpu.memory_space<vmem>>) dst(%dma_wait3A_92 : memref<1x8x4096xf32, #tpu.memory_space<hbm>>)
      } else {
      }
      %parallel_loop3A_80 = arith.constant 0 : i32
      %parallel_loop3A_81 = arith.constant 256 : i32
      %parallel_loop3A_82 = arith.constant 1 : i32
      scf.for %parallel_loop3A_87 = %parallel_loop3A_80 to %parallel_loop3A_81 step %parallel_loop3A_82  : i32 {
        %parallel_loop3A_88 = arith.constant 16 : i32
        %parallel_loop3A_89 = arith.muli %parallel_loop3A_87, %parallel_loop3A_88 : i32
        %parallel_loop3A_90 = arith.index_cast %parallel_loop3A_89 : i32 to index
        %parallel_loop3A_91 = tpu.vector_load %arg9[%parallel_loop3A_90] {strides = array<i32>} : memref<4096xi32, #tpu.memory_space<vmem>>, vector<16xi32>,
        %parallel_loop3A_92 = tpu.vector_load_idx %arg6[%parallel_loop3A_91] : memref<20000xi32, #tpu.memory_space<vmem>>[vector<16xi32>], vector<16xi32>,
        %parallel_loop3A_93 = arith.constant 0 : i32
        %parallel_loop3A_94 = vector.broadcast %parallel_loop3A_93 : i32 to vector<16xi32>
        %parallel_loop3A_95 = arith.addi %parallel_loop3A_92, %parallel_loop3A_94 : vector<16xi32>
        %parallel_loop3A_96 = tpu.vector_load_idx %arg7[%parallel_loop3A_95] : memref<16384xf32, #tpu.memory_space<vmem>>[vector<16xi32>], vector<16xf32>,
        %parallel_loop3A_97 = arith.constant 0 : i64
        %parallel_loop3A_98 = arith.constant 0 : i64
        %parallel_loop3A_99 = arith.index_cast %parallel_loop3A_97 : i64 to index
        %parallel_loop3A_100 = arith.index_cast %parallel_loop3A_98 : i64 to index
        %parallel_loop3A_101 = arith.index_cast %parallel_loop3A_89 : i32 to index
        %parallel_loop3A_102 = tpu.vector_load %arg11[%parallel_loop3A_99, %parallel_loop3A_100, %parallel_loop3A_101] {strides = array<i32>} : memref<1x8x4096xf32, #tpu.memory_space<vmem>>, vector<16xf32>,
        tpu.vector_store %arg11[%parallel_loop3A_99, %parallel_loop3A_100, %parallel_loop3A_101], %parallel_loop3A_96 {strides = array<i32>} : memref<1x8x4096xf32, #tpu.memory_space<vmem>>, vector<16xf32>,
        %parallel_loop3A_103 = arith.constant 2048 : i32
        %parallel_loop3A_104 = vector.broadcast %parallel_loop3A_103 : i32 to vector<16xi32>
        %parallel_loop3A_105 = arith.addi %parallel_loop3A_92, %parallel_loop3A_104 : vector<16xi32>
        %parallel_loop3A_106 = tpu.vector_load_idx %arg7[%parallel_loop3A_105] : memref<16384xf32, #tpu.memory_space<vmem>>[vector<16xi32>], vector<16xf32>,
        %parallel_loop3A_107 = arith.constant 0 : i64
        %parallel_loop3A_108 = arith.constant 1 : i64
        %parallel_loop3A_109 = arith.index_cast %parallel_loop3A_107 : i64 to index
        %parallel_loop3A_110 = arith.index_cast %parallel_loop3A_108 : i64 to index
        %parallel_loop3A_111 = arith.index_cast %parallel_loop3A_89 : i32 to index
        %parallel_loop3A_112 = tpu.vector_load %arg11[%parallel_loop3A_109, %parallel_loop3A_110, %parallel_loop3A_111] {strides = array<i32>} : memref<1x8x4096xf32, #tpu.memory_space<vmem>>, vector<16xf32>,
        tpu.vector_store %arg11[%parallel_loop3A_109, %parallel_loop3A_110, %parallel_loop3A_111], %parallel_loop3A_106 {strides = array<i32>} : memref<1x8x4096xf32, #tpu.memory_space<vmem>>, vector<16xf32>,
        %parallel_loop3A_113 = arith.constant 4096 : i32
        %parallel_loop3A_114 = vector.broadcast %parallel_loop3A_113 : i32 to vector<16xi32>
        %parallel_loop3A_115 = arith.addi %parallel_loop3A_92, %parallel_loop3A_114 : vector<16xi32>
        %parallel_loop3A_116 = tpu.vector_load_idx %arg7[%parallel_loop3A_115] : memref<16384xf32, #tpu.memory_space<vmem>>[vector<16xi32>], vector<16xf32>,
        %parallel_loop3A_117 = arith.constant 0 : i64
        %parallel_loop3A_118 = arith.constant 2 : i64
        %parallel_loop3A_119 = arith.index_cast %parallel_loop3A_117 : i64 to index
        %parallel_loop3A_120 = arith.index_cast %parallel_loop3A_118 : i64 to index
        %parallel_loop3A_121 = arith.index_cast %parallel_loop3A_89 : i32 to index
        %parallel_loop3A_122 = tpu.vector_load %arg11[%parallel_loop3A_119, %parallel_loop3A_120, %parallel_loop3A_121] {strides = array<i32>} : memref<1x8x4096xf32, #tpu.memory_space<vmem>>, vector<16xf32>,
        tpu.vector_store %arg11[%parallel_loop3A_119, %parallel_loop3A_120, %parallel_loop3A_121], %parallel_loop3A_116 {strides = array<i32>} : memref<1x8x4096xf32, #tpu.memory_space<vmem>>, vector<16xf32>,
        %parallel_loop3A_123 = arith.constant 6144 : i32
        %parallel_loop3A_124 = vector.broadcast %parallel_loop3A_123 : i32 to vector<16xi32>
        %parallel_loop3A_125 = arith.addi %parallel_loop3A_92, %parallel_loop3A_124 : vector<16xi32>
        %parallel_loop3A_126 = tpu.vector_load_idx %arg7[%parallel_loop3A_125] : memref<16384xf32, #tpu.memory_space<vmem>>[vector<16xi32>], vector<16xf32>,
        %parallel_loop3A_127 = arith.constant 0 : i64
        %parallel_loop3A_128 = arith.constant 3 : i64
        %parallel_loop3A_129 = arith.index_cast %parallel_loop3A_127 : i64 to index
        %parallel_loop3A_130 = arith.index_cast %parallel_loop3A_128 : i64 to index
        %parallel_loop3A_131 = arith.index_cast %parallel_loop3A_89 : i32 to index
        %parallel_loop3A_132 = tpu.vector_load %arg11[%parallel_loop3A_129, %parallel_loop3A_130, %parallel_loop3A_131] {strides = array<i32>} : memref<1x8x4096xf32, #tpu.memory_space<vmem>>, vector<16xf32>,
        tpu.vector_store %arg11[%parallel_loop3A_129, %parallel_loop3A_130, %parallel_loop3A_131], %parallel_loop3A_126 {strides = array<i32>} : memref<1x8x4096xf32, #tpu.memory_space<vmem>>, vector<16xf32>,
        %parallel_loop3A_133 = arith.constant 8192 : i32
        %parallel_loop3A_134 = vector.broadcast %parallel_loop3A_133 : i32 to vector<16xi32>
        %parallel_loop3A_135 = arith.addi %parallel_loop3A_92, %parallel_loop3A_134 : vector<16xi32>
        %parallel_loop3A_136 = tpu.vector_load_idx %arg7[%parallel_loop3A_135] : memref<16384xf32, #tpu.memory_space<vmem>>[vector<16xi32>], vector<16xf32>,
        %parallel_loop3A_137 = arith.constant 0 : i64
        %parallel_loop3A_138 = arith.constant 4 : i64
        %parallel_loop3A_139 = arith.index_cast %parallel_loop3A_137 : i64 to index
        %parallel_loop3A_140 = arith.index_cast %parallel_loop3A_138 : i64 to index
        %parallel_loop3A_141 = arith.index_cast %parallel_loop3A_89 : i32 to index
        %parallel_loop3A_142 = tpu.vector_load %arg11[%parallel_loop3A_139, %parallel_loop3A_140, %parallel_loop3A_141] {strides = array<i32>} : memref<1x8x4096xf32, #tpu.memory_space<vmem>>, vector<16xf32>,
        tpu.vector_store %arg11[%parallel_loop3A_139, %parallel_loop3A_140, %parallel_loop3A_141], %parallel_loop3A_136 {strides = array<i32>} : memref<1x8x4096xf32, #tpu.memory_space<vmem>>, vector<16xf32>,
        %parallel_loop3A_143 = arith.constant 10240 : i32
        %parallel_loop3A_144 = vector.broadcast %parallel_loop3A_143 : i32 to vector<16xi32>
        %parallel_loop3A_145 = arith.addi %parallel_loop3A_92, %parallel_loop3A_144 : vector<16xi32>
        %parallel_loop3A_146 = tpu.vector_load_idx %arg7[%parallel_loop3A_145] : memref<16384xf32, #tpu.memory_space<vmem>>[vector<16xi32>], vector<16xf32>,
        %parallel_loop3A_147 = arith.constant 0 : i64
        %parallel_loop3A_148 = arith.constant 5 : i64
        %parallel_loop3A_149 = arith.index_cast %parallel_loop3A_147 : i64 to index
        %parallel_loop3A_150 = arith.index_cast %parallel_loop3A_148 : i64 to index
        %parallel_loop3A_151 = arith.index_cast %parallel_loop3A_89 : i32 to index
        %parallel_loop3A_152 = tpu.vector_load %arg11[%parallel_loop3A_149, %parallel_loop3A_150, %parallel_loop3A_151] {strides = array<i32>} : memref<1x8x4096xf32, #tpu.memory_space<vmem>>, vector<16xf32>,
        tpu.vector_store %arg11[%parallel_loop3A_149, %parallel_loop3A_150, %parallel_loop3A_151], %parallel_loop3A_146 {strides = array<i32>} : memref<1x8x4096xf32, #tpu.memory_space<vmem>>, vector<16xf32>,
        %parallel_loop3A_153 = arith.constant 12288 : i32
        %parallel_loop3A_154 = vector.broadcast %parallel_loop3A_153 : i32 to vector<16xi32>
        %parallel_loop3A_155 = arith.addi %parallel_loop3A_92, %parallel_loop3A_154 : vector<16xi32>
        %parallel_loop3A_156 = tpu.vector_load_idx %arg7[%parallel_loop3A_155] : memref<16384xf32, #tpu.memory_space<vmem>>[vector<16xi32>], vector<16xf32>,
        %parallel_loop3A_157 = arith.constant 0 : i64
        %parallel_loop3A_158 = arith.constant 6 : i64
        %parallel_loop3A_159 = arith.index_cast %parallel_loop3A_157 : i64 to index
        %parallel_loop3A_160 = arith.index_cast %parallel_loop3A_158 : i64 to index
        %parallel_loop3A_161 = arith.index_cast %parallel_loop3A_89 : i32 to index
        %parallel_loop3A_162 = tpu.vector_load %arg11[%parallel_loop3A_159, %parallel_loop3A_160, %parallel_loop3A_161] {strides = array<i32>} : memref<1x8x4096xf32, #tpu.memory_space<vmem>>, vector<16xf32>,
        tpu.vector_store %arg11[%parallel_loop3A_159, %parallel_loop3A_160, %parallel_loop3A_161], %parallel_loop3A_156 {strides = array<i32>} : memref<1x8x4096xf32, #tpu.memory_space<vmem>>, vector<16xf32>,
        %parallel_loop3A_163 = arith.constant 14336 : i32
        %parallel_loop3A_164 = vector.broadcast %parallel_loop3A_163 : i32 to vector<16xi32>
        %parallel_loop3A_165 = arith.addi %parallel_loop3A_92, %parallel_loop3A_164 : vector<16xi32>
        %parallel_loop3A_166 = tpu.vector_load_idx %arg7[%parallel_loop3A_165] : memref<16384xf32, #tpu.memory_space<vmem>>[vector<16xi32>], vector<16xf32>,
        %parallel_loop3A_167 = arith.constant 0 : i64
        %parallel_loop3A_168 = arith.constant 7 : i64
        %parallel_loop3A_169 = arith.index_cast %parallel_loop3A_167 : i64 to index
        %parallel_loop3A_170 = arith.index_cast %parallel_loop3A_168 : i64 to index
        %parallel_loop3A_171 = arith.index_cast %parallel_loop3A_89 : i32 to index
        %parallel_loop3A_172 = tpu.vector_load %arg11[%parallel_loop3A_169, %parallel_loop3A_170, %parallel_loop3A_171] {strides = array<i32>} : memref<1x8x4096xf32, #tpu.memory_space<vmem>>, vector<16xf32>,
        tpu.vector_store %arg11[%parallel_loop3A_169, %parallel_loop3A_170, %parallel_loop3A_171], %parallel_loop3A_166 {strides = array<i32>} : memref<1x8x4096xf32, #tpu.memory_space<vmem>>, vector<16xf32>,
      } {sc.loop_unroll_factor = 8 : i64, sc.parallel_access}
      %dma_start3A_83 = arith.constant 0 : i32
      %dma_start3A_84 = tpu.memref_slice %arg5[%add3A_64, %mul3A_6, %dma_start3A_83] : memref<200x64x4096xf32, #tpu.memory_space<hbm>> -> memref<1x8x4096xf32, #tpu.memory_space<hbm>>
      %dma_start3A_85 = arith.constant 0 : i32
      %dma_start3A_86 = tpu.memref_slice %arg5[%add3A_64, %mul3A_6, %dma_start3A_85] : memref<200x64x4096xf32, #tpu.memory_space<hbm>> -> memref<1x8x4096xf32, #tpu.memory_space<hbm>>
      tpu.enqueue_dma source(%arg11 : memref<1x8x4096xf32, #tpu.memory_space<vmem>>) target(%dma_start3A_86 : memref<1x8x4096xf32, #tpu.memory_space<hbm>>) target_semaphore(%arg13 : memref<!tpu.dma_semaphore, #tpu.memory_space<semaphore_mem>>)
    }
    %dma_wait3A = arith.constant 0 : i32
    %dma_wait3A_22 = tpu.memref_slice %arg2[%dma_wait3A] : memref<819200xi32, #tpu.memory_space<hbm>> -> memref<4096xi32, #tpu.memory_space<hbm>>
    %dma_wait3A_23 = tpu.memref_slice %arg2[%dma_wait3A] : memref<819200xi32, #tpu.memory_space<hbm>> -> memref<4096xi32, #tpu.memory_space<hbm>>
    tpu.wait_dma2 semaphore(%arg14 : memref<!tpu.dma_semaphore, #tpu.memory_space<semaphore_mem>>) src(%dma_wait3A_23 : memref<4096xi32, #tpu.memory_space<hbm>>) dst(%arg8 : memref<4096xi32, #tpu.memory_space<vmem>>)
    %dma_wait3A_24 = arith.constant 0 : i32
    %dma_wait3A_25 = arith.constant 0 : i32
    %dma_wait3A_26 = arith.constant 0 : i32
    %dma_wait3A_27 = tpu.memref_slice %arg5[%dma_wait3A_24, %dma_wait3A_25, %dma_wait3A_26] : memref<200x64x4096xf32, #tpu.memory_space<hbm>> -> memref<1x8x4096xf32, #tpu.memory_space<hbm>>
    %dma_wait3A_28 = arith.constant 0 : i32
    %dma_wait3A_29 = tpu.memref_slice %arg5[%dma_wait3A_24, %dma_wait3A_25, %dma_wait3A_28] : memref<200x64x4096xf32, #tpu.memory_space<hbm>> -> memref<1x8x4096xf32, #tpu.memory_space<hbm>>
    tpu.wait_dma2 semaphore(%arg12 : memref<!tpu.dma_semaphore, #tpu.memory_space<semaphore_mem>>) src(%arg10 : memref<1x8x4096xf32, #tpu.memory_space<vmem>>) dst(%dma_wait3A_29 : memref<1x8x4096xf32, #tpu.memory_space<hbm>>)
    %dma_wait3A_30 = arith.constant 0 : i32
    %dma_wait3A_31 = arith.constant 0 : i32
    %dma_wait3A_32 = arith.constant 0 : i32
    %dma_wait3A_33 = tpu.memref_slice %arg5[%dma_wait3A_30, %dma_wait3A_31, %dma_wait3A_32] : memref<200x64x4096xf32, #tpu.memory_space<hbm>> -> memref<1x8x4096xf32, #tpu.memory_space<hbm>>
    %dma_wait3A_34 = arith.constant 0 : i32
    %dma_wait3A_35 = tpu.memref_slice %arg5[%dma_wait3A_30, %dma_wait3A_31, %dma_wait3A_34] : memref<200x64x4096xf32, #tpu.memory_space<hbm>> -> memref<1x8x4096xf32, #tpu.memory_space<hbm>>
    tpu.wait_dma2 semaphore(%arg13 : memref<!tpu.dma_semaphore, #tpu.memory_space<semaphore_mem>>) src(%arg11 : memref<1x8x4096xf32, #tpu.memory_space<vmem>>) dst(%dma_wait3A_35 : memref<1x8x4096xf32, #tpu.memory_space<hbm>>)
    return
  }
}

</mosaic_0001>

<sc_bundles>
// kernel: kernel.3.cloned.1.call-start
scs
__scs_entry_jumppad:
0x0: {  	(pc) =	sbr.rel $0x88, $3  }
0x1: {  	(tag) =	ssettag $0x0;
	lr =	simm.s32 $0x1  }
0x2: {  	[smem:$0x3F9F] =	sst lr;
	_ =	strace $0xD0000000  }
0x3: {  	_ = 	snop  }
0x4: {  	_ = 	snop  }
0x5: {  	_ = 	snop  }
0x6: {  	_ = 	snop  }
0x7: {  	_ = 	snop  }
__scs_overlays_trampoline_lowered:
0x8: {  	[smem:$0x3FAE] =	sst s0  }
0x9: {  	[smem:$0x3FAF] =	sst s1  }
0xa: {  	[smem:$0x3FB0] =	sst s2  }
0xb: {  	[smem:$0x3FB1] =	sst s3  }
0xc: {  	[smem:$0x3FB2] =	sst s4  }
0xd: {  	[smem:$0x3FB3] =	sst s5  }
0xe: {  	[smem:$0x3FB4] =	sst s6  }
0xf: {  	[smem:$0x3FB5] =	sst s7  }
0x10: {  	[smem:$0x3FB6] =	sst s8  }
0x11: {  	[smem:$0x3FB7] =	sst s9;
	s0 =	simm.s32 @!p0 $0x0  }
0x12: {  	s1 =	sld [smem:$0x3F9D];
	s0 =	simm.s32 @p0 $0x1  }
0x13: {  	[smem:$0x3FB8] =	sst s0;
	s0 =	simm.s32 @!p1 $0x0  }
0x14: {  	s2 =	sld [smem:$0x3F9C];
	s0 =	simm.s32 @p1 $0x1  }
0x15: {  	[smem:$0x3FB9] =	sst s0;
	s0 =	simm.s32 @!p2 $0x0  }
0x16: {  	s3 =	sld [smem:$0x3FDB];
	s0 =	simm.s32 @p2 $0x1  }
0x17: {  	s4 =	simm.s32 $0x1BF5;
	[smem:$0x3FBB] =	sst s0  }
0x18: {  	s0 =	sld [smem:$0x3F9E];
	_ =	swait.ge [sflag:s4], $0x0  }
0x19: {  	s7 =	sld [smem:$0x3F9F]  }
0x1a: {  	s8 =	sadd.s32 $0xFFFFE003, lr  }
0x1b: {  	s9 =	sadd.s32 $0xFFFFFEF7, lr;
	s5 =	simm.s32 $0xFFFFFFFF;
	p2 =	slt.u32 s8, $0xFFFFF086  }
0x1c: {  	p1 =	slt.u32 s9, $0xF7A;
	s5 =	simm.s32 @!p2 $0x0  }
0x1d: {  	s5 =	simm.s32 @p1 $0x1;
	p0 =	seq.s32 s7, s2  }
0x1e: {  	s7 =	smul.u32 @!p0 $0xF7A, s2;
	p2 =	seq.s32 @!p0 s5, $0x0  }
0x1f: {  	s9 =	smul.u32 $0xF7A, s1;
	s8 =	simm.s32 @!p0 $0x1BF5;
	p2 =	por !p2, p0  }
0x20: {  	[sflag:s8] =	ssyncset.s32 @!p0 $0xFFFFF086;
	s6 =	sadd.s32 @!p0 s3, s7;
	s7 =	simm.s32 @!p0 $0x108  }
0x21: {  	s3 =	sadd.s32 s3, s9;
	s6 =	sadd.s32 @!p0 $0x88, s6;
	s7 =	simm.s32 @p2 $0x1082  }
0x22: {  	[simem:s7], [sflag:s8] =	dma.local @!p0 [hbm:s6], $0xF7A  }
0x23: {  	s9 =	sor.u32 $0xD0000000, s2;
	s6 =	simm.s32 $0x108;
	_ =	swait.ge @!p0 [sflag:s8], $0x0  }
0x24: {  	s3 =	sadd.s32 $0x88, s3;
	s6 =	simm.s32 @!p1 $0x1082;
	[sflag:s4] =	ssyncset.s32 $0xFFFFF086  }
0x25: {  	[simem:s6], [sflag:s4] =	dma.local [hbm:s3], $0xF7A  }
0x26: {  	[smem:$0x3F9F] =	sst s1;
	(tag) =	ssettag s2;
	_ =	strace s9  }
0x27: {  	s1 =	sld [smem:$0x3FAF]  }
0x28: {  	s2 =	sld [smem:$0x3FB0]  }
0x29: {  	s4 =	sld [smem:$0x3FB2]  }
0x2a: {  	p0 =	seq.s32 s5, $0x0;
	s5 =	sld [smem:$0x3FB3]  }
0x2b: {  	s6 =	sld [smem:$0x3FB4]  }
0x2c: {  	s7 =	sld [smem:$0x3FB5]  }
0x2d: {  	s3 =	simm.s32 $0x108;
	s8 =	sld [smem:$0x3FB6]  }
0x2e: {  	s3 =	simm.s32 @!p0 $0x1082;
	s9 =	sld [smem:$0x3FB7]  }
0x2f: {  	lr =	sadd.s32 s0, s3;
	s0 =	sld [smem:$0x3FAE]  }
0x30: {  	s3 =	sld [smem:$0x3FB1]  }
0x31: {  	[smem:$0x3FBA] =	sst s10  }
0x32: {  	s10 =	sld [smem:$0x3FB8];
	_ =	sdelay $0x3  }
0x33: {  	p0 =	seq.s32 s10, $0x1;
	s10 =	sld [smem:$0x3FBA];
	_ =	sdelay $0x3  }
0x34: {  	[smem:$0x3FBA] =	sst s10  }
0x35: {  	s10 =	sld [smem:$0x3FB9];
	_ =	sdelay $0x3  }
0x36: {  	p1 =	seq.s32 s10, $0x1;
	s10 =	sld [smem:$0x3FBA];
	_ =	sdelay $0x3  }
0x37: {  	[smem:$0x3FBA] =	sst s10  }
0x38: {  	s10 =	sld [smem:$0x3FBB]  }
0x39: {  	_ = 	snop;
	(pc) =	sbr.ind lr, $3  }
0x3a: {  	_ = 	snop  }
0x3b: {  	_ = 	snop  }
0x3c: {  	p2 =	seq.s32 s10, $0x1;
	s10 =	sld [smem:$0x3FBA]  }
0x3d: {  	_ =	shalt  }
0x3e: {  	_ =	shalt  }
0x3f: {  	_ =	shalt  }
0x40: {  	_ =	shalt  }
0x41: {  	_ =	shalt  }
0x42: {  	_ =	shalt  }
0x43: {  	_ =	shalt  }
0x44: {  	_ =	shalt  }
0x45: {  	_ =	shalt  }
0x46: {  	_ =	shalt  }
0x47: {  	_ =	shalt  }
0x48: {  	_ =	shalt  }
0x49: {  	_ =	shalt  }
0x4a: {  	_ =	shalt  }
0x4b: {  	_ =	shalt  }
0x4c: {  	_ =	shalt  }
0x4d: {  	_ =	shalt  }
0x4e: {  	_ =	shalt  }
0x4f: {  	_ =	shalt  }
0x50: {  	_ =	shalt  }
0x51: {  	_ =	shalt  }
0x52: {  	_ =	shalt  }
0x53: {  	_ =	shalt  }
0x54: {  	_ =	shalt  }
0x55: {  	_ =	shalt  }
0x56: {  	_ =	shalt  }
0x57: {  	_ =	shalt  }
0x58: {  	_ =	shalt  }
0x59: {  	_ =	shalt  }
0x5a: {  	_ =	shalt  }
0x5b: {  	_ =	shalt  }
0x5c: {  	_ =	shalt  }
0x5d: {  	_ =	shalt  }
0x5e: {  	_ =	shalt  }
0x5f: {  	_ =	shalt  }
0x60: {  	_ =	shalt  }
0x61: {  	_ =	shalt  }
0x62: {  	_ =	shalt  }
0x63: {  	_ =	shalt  }
0x64: {  	_ =	shalt  }
0x65: {  	_ =	shalt  }
0x66: {  	_ =	shalt  }
0x67: {  	_ =	shalt  }
0x68: {  	_ =	shalt  }
0x69: {  	_ =	shalt  }
0x6a: {  	_ =	shalt  }
0x6b: {  	_ =	shalt  }
0x6c: {  	_ =	shalt  }
0x6d: {  	_ =	shalt  }
0x6e: {  	_ =	shalt  }
0x6f: {  	_ =	shalt  }
0x70: {  	_ =	shalt  }
0x71: {  	_ =	shalt  }
0x72: {  	_ =	shalt  }
0x73: {  	_ =	shalt  }
0x74: {  	_ =	shalt  }
0x75: {  	_ =	shalt  }
0x76: {  	_ =	shalt  }
0x77: {  	_ =	shalt  }
0x78: {  	_ =	shalt  }
0x79: {  	_ =	shalt  }
0x7a: {  	_ =	shalt  }
0x7b: {  	_ =	shalt  }
0x7c: {  	_ =	shalt  }
0x7d: {  	_ =	shalt  }
0x7e: {  	_ =	shalt  }
0x7f: {  	_ =	shalt  }
0x80: {  	_ =	shalt  }
0x81: {  	_ =	shalt  }
0x82: {  	_ =	shalt  }
0x83: {  	_ =	shalt  }
0x84: {  	_ =	shalt  }
0x85: {  	_ =	shalt  }
0x86: {  	_ =	shalt  }
0x87: {  	_ =	shalt  }
.Lfunc_end0:
.L_simem_size_0:
called_computation_lowered:
.L_overlay_start_0:
0x88: {  	s2 =	sld [smem:$0x3FD9]  }
0x89: {  	s3 =	sld [smem:$0x3FFE];
	_ =	sdelay $0x1  }
0x8a: {  	s1 =	srdreg.scid  }
0x8b: {  	s0 =	sand.u32 $0x1, s1  }
0x8c: {  	s17 =	sshll.u32 s0, $0xA;
	s2 =	sadd.s32 s3, s2  }
0x8d: {  	s2 =	sadd.s32 s2, s17  }
0x8e: {  	[smem:$0x3FC6] =	sst s2  }
0x8f: {  	_ = 	snop  }
0x90: {  	s2 =	sld [smem:$0x3FD0];
	(tm) =	ssettm $0x1  }
0x91: {  	s18 =	sld [smem:$0x3FFB];
	_ =	sdelay $0x3  }
0x92: {  	_ =	strace s18  }
0x93: {  	s3 =	sld [smem:$0x3FFC];
	_ =	sdelay $0x3  }
0x94: {  	_ =	strace s3  }
0x95: {  	s3 =	sld [smem:$0x3FFD];
	_ =	sdelay $0x3  }
0x96: {  	_ =	strace s3  }
0x97: {  	_ =	strace $0x8FFFFFFF  }
0x98: {  	s19 =	sld [smem:$0x3FDB];
	_ =	sdelay $0x1  }
0x99: {  	s4 =	simm.s32 $_scs_section_size  }
0x9a: {  	s5 =	simm.s32 $_size__tile_overlayer_lowered;
	s6 =	simm.s32 $_tile_overlayer_lowered  }
0x9b: {  	s22 =	simm.s32 $0x1BFF;
	s21 =	sshll.u32 s6, $0x1;
	s3 =	sadd.s32 s4, s19  }
0x9c: {  	s7 =	simm.s32 $0x0;
	s20 =	sshll.u32 s5, $0x1;
	s5 =	sadd.s32 s21, s3  }
0x9d: {  	[timem:s7], [sflag:s22] =	dma.local [hbm:s5], s20  }
0x9e: {  	_ =	swait.ge [sflag:s22], s20  }
0x9f: {  	s4 =	ssub.s32 $0x0, s20;
	[sflag:s22] =	ssyncset.done $0x0  }
0xa0: {  	[sflag:s22] =	ssyncadd.s32 s4;
	_ =	sdelay $0x1  }
0xa1: {  	s23 =	simm.s32 $0x1B8B  }
0xa2: {  	_ =	swait.ge [sflag:s23], $0x1  }
0xa3: {  	[sflag:s23] =	ssyncset.done $0x0  }
0xa4: {  	s25 =	simm.s32 $0x1B8E;
	s24 =	sld [smem:$0x3FFE];
	[sflag:s23] =	ssyncadd.s32 $0xFFFFFFFF  }
0xa5: {  	s26 =	simm.s32 $execute0_lowered;
	[smem:$0x3FD2] =	sst s25  }
0xa6: {  	s5 =	sshll.u32 s26, $0x1;
	_ =	strace $0x80000046;
	[dreg:$0x1] =	wrdreg $0xFFFFFFFF  }
0xa7: {  	s28 =	simm.s32 $_size_execute0_lowered;
	s3 =	sadd.s32 s3, s5;
	[dreg:$0x0] =	wrdreg $0x0  }
0xa8: {  	s5 =	sshll.u32 s28, $0x1;
	[dreg:$0x2] =	wrdreg s3  }
0xa9: {  	[dreg:$0x3] =	wrdreg s5  }
0xaa: {  	[dreg:$0x4] =	wrdreg $0xC0  }
0xab: {  	_ =	task [dreg:s7], $0x5FFFF  }
0xac: {  	[dreg:$0x1] =	wrdreg $0xFFFFFFFF  }
0xad: {  	[dreg:$0x0] =	wrdreg $0x60  }
0xae: {  	[dreg:$0x2] =	wrdreg s24  }
0xaf: {  	[dreg:$0x3] =	wrdreg s2  }
0xb0: {  	[dreg:$0x4] =	wrdreg $0x9  }
0xb1: {  	_ =	task.clear_ibuf [dreg:s7], $0x5FFFF;
	_ =	strace $0x90000046  }
0xb2: {  	s29 =	simm.s32 $0x9;
	_ =	strace $0x80000048  }
0xb3: {  	_ =	swait.ge [sflag:s29], $0x1  }
0xb4: {  	[sflag:s29] =	ssyncadd.s32 $0xFFFFFFFF  }
0xb5: {  	_ =	strace $0x90000048  }
0xb6: {  	_ =	sfence  }
0xb7: {  	s30 =	sld [smem:$0x0];
	_ =	sdelay $0x2  }
0xb8: {  	s31 =	sshll.u32 s1, $0xD;
	s1 =	sshrl.u32 s1, $0x2  }
0xb9: {  	s3 =	sand.u32 $0x4000, s31;
	s1 =	sadd.s32 s1, s30  }
0xba: {  	s0 =	sor.u32 s3, s0;
	s1 =	sshll.u32 s1, $0x11  }
0xbb: {  	s0 =	sor.u32 s1, s0  }
0xbc: {  	s0 =	sadd.s32 $0x8F2B, s0  }
0xbd: {  	[sflag:s0] =	ssyncadd.remote.s32 $0x1  }
0xbe: {  	_ =	sfence.sel $0xFFFF  }
0xbf: {  	[dreg:$0x0] =	wrdreg $0xFFFFFFFF;
	(pc) =	sbr.abs _section_cstart, $3  }
0xc0: {  	[dreg:$0x1] =	wrdreg $0xFFFFFFFF  }
0xc1: {  	_ =	task.clear_ibuf [dreg:s7], $0x2FFFF;
	_ =	strace $0x9FFFFFFF  }
0xc2: {  	(tm) =	ssettm $0x7FFFFFFF  }
0xc3: {  	_ =	shalt  }
tec
execute0_lowered:
.L_overlay_start_1:
0x0: {  	(tag) =	ssettag $0x1  }
0x1: {  	s6 =	rddreg [dreg:$0x0]  }
0x2: {  	s2 =	rddreg [dreg:$0x1]  }
0x3: {  	s0 =	rddreg [dreg:$0x2];
	s3 =	simm.s32 $0x0;
	s1 =	stileid.u32  }
0x4: {  	s4 =	srdreg.scid;
	s13 =	simm.s32 $0x4E80;
	s14 =	simm.s32 $0x8E80  }
0x5: {  	s15 =	simm.s32 $0x9E80;
	s16 =	simm.s32 $0xAE80;
	s17 =	simm.s32 $0x4  }
0x6: {  	s18 =	simm.s32 $0x12E80;
	s19 =	simm.s32 $0x3;
	s20 =	simm.s32 $0x1  }
0x7: {  	s21 =	simm.s32 $0x2;
	s22 =	simm.s32 $0x0;
	[smem:$0x7FF] =	sst s3  }
0x8: {  	s5 =	sshll.u32 s1, $0x1;
	s7 =	sand.u32 $0x1, s4;
	s4 =	sadd.s32 $0x4E00, s6  }
0x9: {  	s8 =	sshrl.u32 s1, $0x2;
	_ =	strace $0x80000047;
	s5 =	sand.u32 $0x6, s5  }
0xa: {  	s12 =	smul.u32 $0x6400, s8;
	s10 =	sor.u32 s7, s5;
	s7 =	ssub.s32 $0x2, s7  }
0xb: {  	s5 =	smul.u32 $0x32, s8;
	s9 =	sshll.u32 s10, $0xB;
	s11 =	sshrl.u32 s7, $0x1  }
0xc: {  	s10 =	sshll.u32 s10, $0xF;
	s9 =	sadd.s32 s9, s6;
	s6 =	sadd.s32 $0x400, s6  }
0xd: {  	s11 =	ssub.s32 s7, s11;
	s7 =	sadd.s32 $0x31, s5;
	s8 =	sadd.s32 $0xE00, s9  }
0xe: {  	s9 =	sadd.s32 s4, s12;
	s11 =	smax.u32 s11, $0x1;
	s12 =	simm.s32 $0x5  }
.LBB2_1:
0xf: {  	[tilespmem:s3], [sflag:$0x5] =	stream.linear.gather [hbm4b:s6+s3], $0x4E80, $0x38;
	[tilespmem:$0x1AE80] =	vst v63  }
0x10: {  	_ =	swait.ge [sflag:s12], $0x4E80  }
0x11: {  	[sflag:s12] =	ssyncset.done $0x0  }
0x12: {  	[sflag:s12] =	ssyncadd.s32 $0xFFFFB180  }
0x13: {  	[tilespmem:s13], [sflag:$0x5] =	stream.linear.gather [hbm4b:s8+s3], $0x4000, $0x38;
	[tilespmem:$0x1AE80] =	vst v63  }
0x14: {  	_ =	swait.ge [sflag:s12], $0x4000  }
0x15: {  	[sflag:s12] =	ssyncset.done $0x0  }
0x16: {  	[sflag:s12] =	ssyncadd.s32 $0xFFFFC000  }
0x17: {  	[tilespmem:s14], [sflag:$0x5] =	stream.linear.gather [hbm4b:s9+s3], $0x1000, $0x38;
	[tilespmem:$0x1AE80] =	vst v63  }
0x18: {  	_ =	swait.ge [sflag:s12], $0x1000  }
0x19: {  	[sflag:s12] =	ssyncset.done $0x0  }
0x1a: {  	s23 =	simm.s32 $0x0;
	[sflag:s12] =	ssyncadd.s32 $0xFFFFF000  }
.LBB2_2:
0x1b: {  	s24 =	sshll.u32 s23, $0x1  }
0x1c: {  	p0 =	seq.s32 s23, $0x0;
	s25 =	sadd.s32 s5, s24  }
0x1d: {  	s26 =	simm.s32 @!p0 $0x3;
	s24 =	sor.u32 $0x1, s25  }
0x1e: {  	_ =	swait.ge @!p0 [sflag:s26], $0x1000;
	s28 =	smin.u32 s24, s7  }
0x1f: {  	[sflag:s26] =	ssyncset.done @!p0 $0x0;
	s28 =	sshll.u32 s28, $0x9  }
0x20: {  	[sflag:s26] =	ssyncadd.s32 @!p0 $0xFFFFF000;
	s26 =	simm.s32 @!p0 $0x1;
	s30 =	sadd.s32 s4, s28  }
0x21: {  	[tilespmem:s15], [sflag:$0x4] =	stream.linear.gather [hbm4b:s30+s3], $0x1000, $0x38;
	[tilespmem:$0x1AE80] =	vst v63  }
0x22: {  	_ =	swait.ge @!p0 [sflag:s26], $0x8000  }
0x23: {  	[sflag:s26] =	ssyncset.done @!p0 $0x0  }
0x24: {  	s31 =	simm.s32 $0x8EC0;
	[sflag:s26] =	ssyncadd.s32 @!p0 $0xFFFF8000  }
0x25: {  	v0 =	vld [tilespmem:s31+$0x30]  }
0x26: {  	v1 =	vld [tilespmem:s31+$0xFFFFFFD0]  }
0x27: {  	v2 =	vld [tilespmem:s31+$0xFFFFFFE0]  }
0x28: {  	v3 =	vld [tilespmem:s31+$0xFFFFFFF0]  }
0x29: {  	v6 =	vld [tilespmem:s31+$0x0]  }
0x2a: {  	v8 =	vld [tilespmem:s31+$0x10]  }
0x2b: {  	v9 =	vld [tilespmem:s31+$0x20]  }
0x2c: {  	v10 =	vld [tilespmem:s31+$0xFFFFFFC0]  }
0x2d: {  	v7 =	vld.idx.msk [tilespmem:v0+s3+$0x0], $0xffff  }
0x2e: {  	v5 =	vld.idx.msk [tilespmem:v1+s3+$0x0], $0xffff  }
0x2f: {  	v4 =	vld.idx.msk [tilespmem:v2+s3+$0x0], $0xffff  }
0x30: {  	v3 =	vld.idx.msk [tilespmem:v3+s3+$0x0], $0xffff  }
0x31: {  	v2 =	vld.idx.msk [tilespmem:v6+s3+$0x0], $0xffff  }
0x32: {  	v1 =	vld.idx.msk [tilespmem:v8+s3+$0x0], $0xffff  }
0x33: {  	v0 =	vld.idx.msk [tilespmem:v9+s3+$0x0], $0xffff  }
0x34: {  	v6 =	vld.idx.msk [tilespmem:v10+s3+$0x0], $0xffff  }
0x35: {  	v44 =	vld.idx.msk [tilespmem:v7+s13+$0x0], $0xffff  }
0x36: {  	v45 =	vld.idx.msk [tilespmem:v5+s13+$0x0], $0xffff  }
0x37: {  	v46 =	vld.idx.msk [tilespmem:v4+s13+$0x0], $0xffff  }
0x38: {  	v11 =	vadd.s32 $0x800, v7;
	v12 =	vld.idx.msk [tilespmem:v3+s13+$0x0], $0xffff  }
0x39: {  	v13 =	vadd.s32 $0x800, v5;
	v14 =	vld.idx.msk [tilespmem:v2+s13+$0x0], $0xffff  }
0x3a: {  	s26 =	simm.s32 $0xB080;
	v15 =	vadd.s32 $0x800, v4;
	v16 =	vld.idx.msk [tilespmem:v1+s13+$0x0], $0xffff  }
0x3b: {  	v17 =	vadd.s32 $0x800, v3;
	v18 =	vld.idx.msk [tilespmem:v0+s13+$0x0], $0xffff;
	[tilespmem:s26+$0xFFFFFE70] =	vst v44  }
0x3c: {  	v47 =	vadd.s32 $0x800, v2;
	v19 =	vld.idx.msk [tilespmem:v6+s13+$0x0], $0xffff;
	[tilespmem:s26+$0xFFFFFE10] =	vst v45  }
0x3d: {  	v49 =	vadd.s32 $0x800, v1;
	[tilespmem:s26+$0xFFFFFE20] =	vst v46;
	v48 =	vld.idx.msk [tilespmem:v11+s13+$0x0], $0xffff  }
0x3e: {  	v52 =	vadd.s32 $0x800, v6;
	[tilespmem:s26+$0xFFFFFE30] =	vst v12;
	v50 =	vld.idx.msk [tilespmem:v13+s13+$0x0], $0xffff  }
0x3f: {  	v53 =	vadd.s32 $0x800, v0;
	[tilespmem:s26+$0xFFFFFE40] =	vst v14;
	v15 =	vld.idx.msk [tilespmem:v15+s13+$0x0], $0xffff  }
0x40: {  	v51 =	vadd.s32 $0x1000, v7;
	[tilespmem:s26+$0xFFFFFE50] =	vst v16;
	v17 =	vld.idx.msk [tilespmem:v17+s13+$0x0], $0xffff  }
0x41: {  	v54 =	vadd.s32 $0x1000, v5;
	[tilespmem:s26+$0xFFFFFE60] =	vst v18;
	v8 =	vld.idx.msk [tilespmem:v47+s13+$0x0], $0xffff  }
0x42: {  	v55 =	vadd.s32 $0x1000, v4;
	[tilespmem:s26+$0xFFFFFE00] =	vst v19;
	v11 =	vld.idx.msk [tilespmem:v49+s13+$0x0], $0xffff  }
0x43: {  	v56 =	vadd.s32 $0x1000, v3;
	v13 =	vld.idx.msk [tilespmem:v52+s13+$0x0], $0xffff;
	[tilespmem:s26+$0xFFFFFEF0] =	vst v48  }
0x44: {  	v57 =	vadd.s32 $0x1000, v2;
	v58 =	vld.idx.msk [tilespmem:v53+s13+$0x0], $0xffff;
	[tilespmem:s26+$0xFFFFFE90] =	vst v50  }
0x45: {  	v60 =	vadd.s32 $0x1000, v6;
	[tilespmem:s26+$0xFFFFFEA0] =	vst v15;
	v12 =	vld.idx.msk [tilespmem:v51+s13+$0x0], $0xffff  }
0x46: {  	v61 =	vadd.s32 $0x1000, v1;
	[tilespmem:s26+$0xFFFFFEB0] =	vst v17;
	v16 =	vld.idx.msk [tilespmem:v54+s13+$0x0], $0xffff  }
0x47: {  	v62 =	vadd.s32 $0x1000, v0;
	[tilespmem:s26+$0xFFFFFEC0] =	vst v8;
	v18 =	vld.idx.msk [tilespmem:v55+s13+$0x0], $0xffff  }
0x48: {  	v59 =	vadd.s32 $0x1800, v7;
	[tilespmem:s26+$0xFFFFFED0] =	vst v11;
	v9 =	vld.idx.msk [tilespmem:v56+s13+$0x0], $0xffff  }
0x49: {  	v63 =	vadd.s32 $0x1800, v5;
	[tilespmem:s26+$0xFFFFFE80] =	vst v13;
	v19 =	vld.idx.msk [tilespmem:v57+s13+$0x0], $0xffff  }
0x4a: {  	v21 =	vadd.s32 $0x1800, v4;
	[tilespmem:s26+$0xFFFFFEE0] =	vst v58;
	v15 =	vld.idx.msk [tilespmem:v60+s13+$0x0], $0xffff  }
0x4b: {  	v23 =	vadd.s32 $0x1800, v3;
	v24 =	vld.idx.msk [tilespmem:v61+s13+$0x0], $0xffff;
	[tilespmem:s26+$0xFFFFFF70] =	vst v12  }
0x4c: {  	v26 =	vadd.s32 $0x1800, v6;
	v8 =	vld.idx.msk [tilespmem:v62+s13+$0x0], $0xffff;
	[tilespmem:s26+$0xFFFFFF10] =	vst v16  }
0x4d: {  	v27 =	vadd.s32 $0x1800, v2;
	[tilespmem:s26+$0xFFFFFF20] =	vst v18;
	v22 =	vld.idx.msk [tilespmem:v59+s13+$0x0], $0xffff  }
0x4e: {  	v28 =	vadd.s32 $0x1800, v1;
	[tilespmem:s26+$0xFFFFFF30] =	vst v9;
	v11 =	vld.idx.msk [tilespmem:v63+s13+$0x0], $0xffff  }
0x4f: {  	v29 =	vadd.s32 $0x1800, v0;
	[tilespmem:s26+$0xFFFFFF40] =	vst v19;
	v12 =	vld.idx.msk [tilespmem:v21+s13+$0x0], $0xffff  }
0x50: {  	v25 =	vadd.s32 $0x2000, v7;
	[tilespmem:s26+$0xFFFFFF00] =	vst v15;
	v14 =	vld.idx.msk [tilespmem:v23+s13+$0x0], $0xffff  }
0x51: {  	v30 =	vadd.s32 $0x2000, v5;
	[tilespmem:s26+$0xFFFFFF50] =	vst v24;
	v17 =	vld.idx.msk [tilespmem:v26+s13+$0x0], $0xffff  }
0x52: {  	v32 =	vadd.s32 $0x2000, v4;
	[tilespmem:s26+$0xFFFFFF60] =	vst v8;
	v33 =	vld.idx.msk [tilespmem:v27+s13+$0x0], $0xffff  }
0x53: {  	v35 =	vadd.s32 $0x2000, v6;
	v9 =	vld.idx.msk [tilespmem:v28+s13+$0x0], $0xffff;
	[tilespmem:s26+$0xFFFFFFF0] =	vst v22  }
0x54: {  	v36 =	vadd.s32 $0x2000, v3;
	v37 =	vld.idx.msk [tilespmem:v29+s13+$0x0], $0xffff;
	[tilespmem:s26+$0xFFFFFF90] =	vst v11  }
0x55: {  	v38 =	vadd.s32 $0x2000, v2;
	[tilespmem:s26+$0xFFFFFFA0] =	vst v12;
	v31 =	vld.idx.msk [tilespmem:v25+s13+$0x0], $0xffff  }
0x56: {  	v39 =	vadd.s32 $0x2000, v1;
	[tilespmem:s26+$0xFFFFFFB0] =	vst v14;
	v13 =	vld.idx.msk [tilespmem:v30+s13+$0x0], $0xffff  }
0x57: {  	v40 =	vadd.s32 $0x2000, v0;
	[tilespmem:s26+$0xFFFFFF80] =	vst v17;
	v16 =	vld.idx.msk [tilespmem:v32+s13+$0x0], $0xffff  }
0x58: {  	v34 =	vadd.s32 $0x2800, v7;
	[tilespmem:s26+$0xFFFFFFC0] =	vst v33;
	v18 =	vld.idx.msk [tilespmem:v35+s13+$0x0], $0xffff  }
0x59: {  	v41 =	vadd.s32 $0x2800, v5;
	[tilespmem:s26+$0xFFFFFFD0] =	vst v9;
	v42 =	vld.idx.msk [tilespmem:v36+s13+$0x0], $0xffff  }
0x5a: {  	v44 =	vadd.s32 $0x2800, v6;
	[tilespmem:s26+$0xFFFFFFE0] =	vst v37;
	v19 =	vld.idx.msk [tilespmem:v38+s13+$0x0], $0xffff  }
0x5b: {  	v45 =	vadd.s32 $0x2800, v4;
	v46 =	vld.idx.msk [tilespmem:v39+s13+$0x0], $0xffff;
	[tilespmem:s26+$0x70] =	vst v31  }
0x5c: {  	v47 =	vadd.s32 $0x2800, v3;
	v15 =	vld.idx.msk [tilespmem:v40+s13+$0x0], $0xffff;
	[tilespmem:s26+$0x10] =	vst v13  }
0x5d: {  	v48 =	vadd.s32 $0x2800, v2;
	[tilespmem:s26+$0x20] =	vst v16;
	v8 =	vld.idx.msk [tilespmem:v34+s13+$0x0], $0xffff  }
0x5e: {  	v43 =	vadd.s32 $0x3000, v7;
	[tilespmem:s26+$0x0] =	vst v18;
	v17 =	vld.idx.msk [tilespmem:v41+s13+$0x0], $0xffff  }
0x5f: {  	v50 =	vadd.s32 $0x2800, v0;
	[tilespmem:s26+$0x30] =	vst v42;
	v11 =	vld.idx.msk [tilespmem:v44+s13+$0x0], $0xffff  }
0x60: {  	v49 =	vadd.s32 $0x2800, v1;
	[tilespmem:s26+$0x40] =	vst v19;
	v51 =	vld.idx.msk [tilespmem:v45+s13+$0x0], $0xffff  }
0x61: {  	v52 =	vadd.s32 $0x3000, v6;
	[tilespmem:s26+$0x50] =	vst v46;
	v14 =	vld.idx.msk [tilespmem:v47+s13+$0x0], $0xffff  }
0x62: {  	v53 =	vadd.s32 $0x3000, v5;
	v16 =	vld.idx.msk [tilespmem:v48+s13+$0x0], $0xffff;
	[tilespmem:s26+$0xF0] =	vst v8  }
0x63: {  	v54 =	vadd.s32 $0x3000, v4;
	[tilespmem:s26+$0x60] =	vst v15;
	v9 =	vld.idx.msk [tilespmem:v43+s13+$0x0], $0xffff  }
0x64: {  	v7 =	vadd.s32 $0x3800, v7;
	v18 =	vld.idx.msk [tilespmem:v50+s13+$0x0], $0xffff;
	[tilespmem:s26+$0x90] =	vst v17  }
0x65: {  	v55 =	vadd.s32 $0x3000, v3;
	v8 =	vld.idx.msk [tilespmem:v49+s13+$0x0], $0xffff;
	[tilespmem:s26+$0x80] =	vst v11  }
0x66: {  	v56 =	vadd.s32 $0x3000, v2;
	[tilespmem:s26+$0xA0] =	vst v51;
	v12 =	vld.idx.msk [tilespmem:v52+s13+$0x0], $0xffff  }
0x67: {  	v57 =	vadd.s32 $0x3000, v1;
	[tilespmem:s26+$0xB0] =	vst v14;
	v13 =	vld.idx.msk [tilespmem:v53+s13+$0x0], $0xffff  }
0x68: {  	v58 =	vadd.s32 $0x3000, v0;
	v59 =	vld.idx.msk [tilespmem:v54+s13+$0x0], $0xffff;
	[tilespmem:s26+$0x170] =	vst v9  }
0x69: {  	v6 =	vadd.s32 $0x3800, v6;
	[tilespmem:s26+$0xC0] =	vst v16;
	v7 =	vld.idx.msk [tilespmem:v7+s13+$0x0], $0xffff  }
0x6a: {  	v5 =	vadd.s32 $0x3800, v5;
	[tilespmem:s26+$0xE0] =	vst v18;
	v60 =	vld.idx.msk [tilespmem:v55+s13+$0x0], $0xffff  }
0x6b: {  	v3 =	vadd.s32 $0x3800, v3;
	v61 =	vld.idx.msk [tilespmem:v56+s13+$0x0], $0xffff;
	[tilespmem:s26+$0xD0] =	vst v8  }
0x6c: {  	v4 =	vadd.s32 $0x3800, v4;
	v62 =	vld.idx.msk [tilespmem:v57+s13+$0x0], $0xffff;
	[tilespmem:s26+$0x100] =	vst v12  }
0x6d: {  	v1 =	vadd.s32 $0x3800, v1;
	v10 =	vld.idx.msk [tilespmem:v58+s13+$0x0], $0xffff;
	[tilespmem:s26+$0x110] =	vst v13  }
0x6e: {  	v6 =	vld.idx.msk [tilespmem:v6+s13+$0x0], $0xffff;
	[tilespmem:s26+$0x1F0] =	vst v7;
	v7 =	vadd.s32 $0x3800, v2  }
0x6f: {  	v63 =	vadd.s32 $0x3800, v0;
	[tilespmem:s26+$0x130] =	vst v60;
	v0 =	vld.idx.msk [tilespmem:v5+s13+$0x0], $0xffff  }
0x70: {  	[tilespmem:s26+$0x120] =	vst v59;
	v3 =	vld.idx.msk [tilespmem:v3+s13+$0x0], $0xffff  }
0x71: {  	[tilespmem:s26+$0x150] =	vst v62;
	v2 =	vld.idx.msk [tilespmem:v4+s13+$0x0], $0xffff  }
0x72: {  	[tilespmem:s26+$0x140] =	vst v61;
	v4 =	vld.idx.msk [tilespmem:v1+s13+$0x0], $0xffff  }
0x73: {  	[tilespmem:s26+$0x160] =	vst v10;
	v5 =	vld.idx.msk [tilespmem:v7+s13+$0x0], $0xffff  }
0x74: {  	s29 =	simm.s32 $0x8F40;
	s28 =	simm.s32 $0x0;
	[tilespmem:s26+$0x180] =	vst v6;
	v1 =	vld.idx.msk [tilespmem:v63+s13+$0x0], $0xffff  }
.LBB2_3:
0x75: {  	v6 =	vld [tilespmem:s29+$0x30];
	s28 =	sadd.s32 $0x8, s28;
	[tilespmem:s26+$0x190] =	vst v0  }
0x76: {  	v7 =	vld [tilespmem:s29+$0xFFFFFFD0];
	p1 =	slt.u32 s28, $0xF8;
	[tilespmem:s26+$0x1A0] =	vst v2  }
0x77: {  	v2 =	vld [tilespmem:s29+$0xFFFFFFE0];
	[tilespmem:s26+$0x1B0] =	vst v3  }
0x78: {  	v3 =	vld [tilespmem:s29+$0xFFFFFFF0];
	[tilespmem:s26+$0x1C0] =	vst v5  }
0x79: {  	v5 =	vld [tilespmem:s29+$0x0];
	[tilespmem:s26+$0x1D0] =	vst v4  }
0x7a: {  	v4 =	vld [tilespmem:s29+$0x10];
	[tilespmem:s26+$0x1E0] =	vst v1  }
0x7b: {  	v1 =	vld [tilespmem:s29+$0x20]  }
0x7c: {  	v8 =	vld [tilespmem:s29+$0xFFFFFFC0]  }
0x7d: {  	v0 =	vld.idx.msk [tilespmem:v6+s3+$0x0], $0xffff  }
0x7e: {  	v6 =	vld.idx.msk [tilespmem:v7+s3+$0x0], $0xffff  }
0x7f: {  	v17 =	vld.idx.msk [tilespmem:v2+s3+$0x0], $0xffff  }
0x80: {  	v3 =	vld.idx.msk [tilespmem:v3+s3+$0x0], $0xffff  }
0x81: {  	v18 =	vld.idx.msk [tilespmem:v5+s3+$0x0], $0xffff  }
0x82: {  	v4 =	vld.idx.msk [tilespmem:v4+s3+$0x0], $0xffff  }
0x83: {  	v1 =	vld.idx.msk [tilespmem:v1+s3+$0x0], $0xffff  }
0x84: {  	v5 =	vadd.s32 $0x800, v6;
	v19 =	vadd.s32 $0x1000, v6;
	v20 =	vadd.s32 $0x1800, v6;
	v2 =	vld.idx.msk [tilespmem:v8+s3+$0x0], $0xffff  }
0x85: {  	v7 =	vadd.s32 $0x800, v17;
	v21 =	vadd.s32 $0x1000, v17;
	v22 =	vadd.s32 $0x1800, v17;
	v8 =	vld.idx.msk [tilespmem:v0+s13+$0x0], $0xffff  }
0x86: {  	v11 =	vadd.s32 $0x800, v3;
	v23 =	vadd.s32 $0x1000, v3;
	v24 =	vadd.s32 $0x1800, v3;
	v9 =	vld.idx.msk [tilespmem:v6+s13+$0x0], $0xffff  }
0x87: {  	v13 =	vadd.s32 $0x800, v0;
	v12 =	vadd.s32 $0x800, v18;
	v25 =	vadd.s32 $0x1000, v18;
	v10 =	vld.idx.msk [tilespmem:v17+s13+$0x0], $0xffff  }
0x88: {  	v26 =	vadd.s32 $0x1800, v18;
	v27 =	vadd.s32 $0x800, v4;
	v28 =	vadd.s32 $0x1000, v4;
	v14 =	vld.idx.msk [tilespmem:v3+s13+$0x0], $0xffff  }
0x89: {  	v29 =	vadd.s32 $0x1800, v4;
	v30 =	vadd.s32 $0x800, v1;
	v31 =	vadd.s32 $0x1000, v1;
	v16 =	vld.idx.msk [tilespmem:v18+s13+$0x0], $0xffff  }
0x8a: {  	s26 =	sadd.s32 $0x400, s26;
	v32 =	vadd.s32 $0x800, v2;
	v33 =	vadd.s32 $0x1000, v2;
	v34 =	vadd.s32 $0x1800, v2;
	v35 =	vld.idx.msk [tilespmem:v4+s13+$0x0], $0xffff  }
0x8b: {  	v37 =	vadd.s32 $0x2000, v6;
	v39 =	vadd.s32 $0x1800, v1;
	v36 =	vadd.s32 $0x2000, v2;
	v38 =	vld.idx.msk [tilespmem:v1+s13+$0x0], $0xffff;
	[tilespmem:s26+$0xFFFFFE70] =	vst v8  }
0x8c: {  	v40 =	vadd.s32 $0x2000, v17;
	v41 =	vadd.s32 $0x2000, v3;
	v42 =	vadd.s32 $0x2000, v18;
	[tilespmem:s26+$0xFFFFFE10] =	vst v9;
	v43 =	vld.idx.msk [tilespmem:v13+s13+$0x0], $0xffff  }
0x8d: {  	v45 =	vadd.s32 $0x2000, v4;
	v46 =	vadd.s32 $0x2000, v1;
	v15 =	vadd.s32 $0x2800, v2;
	v44 =	vld.idx.msk [tilespmem:v2+s13+$0x0], $0xffff;
	[tilespmem:s26+$0xFFFFFE20] =	vst v10  }
0x8e: {  	v50 =	vadd.s32 $0x1000, v0;
	v48 =	vadd.s32 $0x2800, v6;
	v49 =	vadd.s32 $0x2800, v17;
	v47 =	vld.idx.msk [tilespmem:v5+s13+$0x0], $0xffff;
	[tilespmem:s26+$0xFFFFFE30] =	vst v14  }
0x8f: {  	v52 =	vadd.s32 $0x2800, v3;
	v53 =	vadd.s32 $0x2800, v18;
	v51 =	vld.idx.msk [tilespmem:v7+s13+$0x0], $0xffff;
	[tilespmem:s26+$0xFFFFFE40] =	vst v16;
	v16 =	vadd.s32 $0x2800, v4  }
0x90: {  	v13 =	vadd.s32 $0x3000, v2;
	v10 =	vadd.s32 $0x3000, v6;
	v54 =	vld.idx.msk [tilespmem:v11+s13+$0x0], $0xffff;
	[tilespmem:s26+$0xFFFFFE50] =	vst v35;
	v35 =	vadd.s32 $0x2800, v1  }
0x91: {  	v9 =	vadd.s32 $0x3000, v18;
	v14 =	vadd.s32 $0x3000, v17;
	v11 =	vadd.s32 $0x3000, v3;
	v55 =	vld.idx.msk [tilespmem:v12+s13+$0x0], $0xffff;
	[tilespmem:s26+$0xFFFFFE60] =	vst v38  }
0x92: {  	v8 =	vadd.s32 $0x3000, v1;
	v2 =	vadd.s32 $0x3800, v2;
	v12 =	vadd.s32 $0x3000, v4;
	v27 =	vld.idx.msk [tilespmem:v27+s13+$0x0], $0xffff;
	[tilespmem:s26+$0xFFFFFEF0] =	vst v43  }
0x93: {  	v5 =	vadd.s32 $0x3800, v17;
	v7 =	vadd.s32 $0x3800, v6;
	v3 =	vadd.s32 $0x3800, v3;
	[tilespmem:s26+$0xFFFFFE00] =	vst v44;
	v17 =	vld.idx.msk [tilespmem:v50+s13+$0x0], $0xffff  }
0x94: {  	v6 =	vadd.s32 $0x3800, v18;
	v1 =	vadd.s32 $0x3800, v1;
	v4 =	vadd.s32 $0x3800, v4;
	v32 =	vld.idx.msk [tilespmem:v32+s13+$0x0], $0xffff;
	[tilespmem:s26+$0xFFFFFE90] =	vst v47  }
0x95: {  	[tilespmem:s26+$0xFFFFFEA0] =	vst v51;
	v18 =	vld.idx.msk [tilespmem:v30+s13+$0x0], $0xffff;
	v30 =	vadd.s32 $0x1800, v0  }
0x96: {  	v19 =	vld.idx.msk [tilespmem:v19+s13+$0x0], $0xffff;
	[tilespmem:s26+$0xFFFFFEB0] =	vst v54  }
0x97: {  	v21 =	vld.idx.msk [tilespmem:v21+s13+$0x0], $0xffff;
	[tilespmem:s26+$0xFFFFFEC0] =	vst v55  }
0x98: {  	v23 =	vld.idx.msk [tilespmem:v23+s13+$0x0], $0xffff;
	[tilespmem:s26+$0xFFFFFED0] =	vst v27  }
0x99: {  	v25 =	vld.idx.msk [tilespmem:v25+s13+$0x0], $0xffff;
	[tilespmem:s26+$0xFFFFFF70] =	vst v17  }
0x9a: {  	[tilespmem:s26+$0xFFFFFE80] =	vst v32;
	v17 =	vld.idx.msk [tilespmem:v30+s13+$0x0], $0xffff  }
0x9b: {  	v27 =	vld.idx.msk [tilespmem:v33+s13+$0x0], $0xffff;
	[tilespmem:s26+$0xFFFFFEE0] =	vst v18  }
0x9c: {  	[tilespmem:s26+$0xFFFFFF10] =	vst v19;
	v18 =	vld.idx.msk [tilespmem:v28+s13+$0x0], $0xffff;
	v19 =	vadd.s32 $0x2000, v0  }
0x9d: {  	[tilespmem:s26+$0xFFFFFF20] =	vst v21;
	v21 =	vld.idx.msk [tilespmem:v31+s13+$0x0], $0xffff  }
0x9e: {  	v20 =	vld.idx.msk [tilespmem:v20+s13+$0x0], $0xffff;
	[tilespmem:s26+$0xFFFFFF30] =	vst v23  }
0x9f: {  	v22 =	vld.idx.msk [tilespmem:v22+s13+$0x0], $0xffff;
	[tilespmem:s26+$0xFFFFFF40] =	vst v25  }
0xa0: {  	v23 =	vld.idx.msk [tilespmem:v24+s13+$0x0], $0xffff;
	[tilespmem:s26+$0xFFFFFFF0] =	vst v17  }
0xa1: {  	[tilespmem:s26+$0xFFFFFF00] =	vst v27;
	v17 =	vld.idx.msk [tilespmem:v19+s13+$0x0], $0xffff  }
0xa2: {  	v19 =	vld.idx.msk [tilespmem:v34+s13+$0x0], $0xffff;
	[tilespmem:s26+$0xFFFFFF50] =	vst v18  }
0xa3: {  	v18 =	vld.idx.msk [tilespmem:v26+s13+$0x0], $0xffff;
	[tilespmem:s26+$0xFFFFFF60] =	vst v21;
	v21 =	vadd.s32 $0x2800, v0  }
0xa4: {  	[tilespmem:s26+$0xFFFFFF90] =	vst v20;
	v20 =	vld.idx.msk [tilespmem:v29+s13+$0x0], $0xffff  }
0xa5: {  	[tilespmem:s26+$0xFFFFFFA0] =	vst v22;
	v22 =	vld.idx.msk [tilespmem:v39+s13+$0x0], $0xffff  }
0xa6: {  	v24 =	vld.idx.msk [tilespmem:v37+s13+$0x0], $0xffff;
	[tilespmem:s26+$0xFFFFFFB0] =	vst v23  }
0xa7: {  	v23 =	vld.idx.msk [tilespmem:v40+s13+$0x0], $0xffff;
	[tilespmem:s26+$0x70] =	vst v17  }
0xa8: {  	[tilespmem:s26+$0xFFFFFF80] =	vst v19;
	v17 =	vld.idx.msk [tilespmem:v21+s13+$0x0], $0xffff  }
0xa9: {  	v19 =	vld.idx.msk [tilespmem:v36+s13+$0x0], $0xffff;
	[tilespmem:s26+$0xFFFFFFC0] =	vst v18  }
0xaa: {  	v18 =	vld.idx.msk [tilespmem:v41+s13+$0x0], $0xffff;
	[tilespmem:s26+$0xFFFFFFD0] =	vst v20;
	v20 =	vadd.s32 $0x3000, v0  }
0xab: {  	v21 =	vld.idx.msk [tilespmem:v42+s13+$0x0], $0xffff;
	[tilespmem:s26+$0xFFFFFFE0] =	vst v22  }
0xac: {  	[tilespmem:s26+$0x10] =	vst v24;
	v22 =	vld.idx.msk [tilespmem:v45+s13+$0x0], $0xffff  }
0xad: {  	[tilespmem:s26+$0x20] =	vst v23;
	v23 =	vld.idx.msk [tilespmem:v46+s13+$0x0], $0xffff  }
0xae: {  	v24 =	vld.idx.msk [tilespmem:v48+s13+$0x0], $0xffff;
	[tilespmem:s26+$0xF0] =	vst v17  }
0xaf: {  	[tilespmem:s26+$0x0] =	vst v19;
	v17 =	vld.idx.msk [tilespmem:v20+s13+$0x0], $0xffff  }
0xb0: {  	v15 =	vld.idx.msk [tilespmem:v15+s13+$0x0], $0xffff;
	[tilespmem:s26+$0x30] =	vst v18  }
0xb1: {  	v0 =	vadd.s32 $0x3800, v0;
	v18 =	vld.idx.msk [tilespmem:v49+s13+$0x0], $0xffff;
	[tilespmem:s26+$0x40] =	vst v21  }
0xb2: {  	v19 =	vld.idx.msk [tilespmem:v52+s13+$0x0], $0xffff;
	[tilespmem:s26+$0x50] =	vst v22  }
0xb3: {  	v20 =	vld.idx.msk [tilespmem:v53+s13+$0x0], $0xffff;
	[tilespmem:s26+$0x60] =	vst v23  }
0xb4: {  	[tilespmem:s26+$0x90] =	vst v24;
	v16 =	vld.idx.msk [tilespmem:v16+s13+$0x0], $0xffff  }
0xb5: {  	v21 =	vld.idx.msk [tilespmem:v35+s13+$0x0], $0xffff;
	[tilespmem:s26+$0x170] =	vst v17  }
0xb6: {  	[tilespmem:s26+$0x80] =	vst v15;
	v0 =	vld.idx.msk [tilespmem:v0+s13+$0x0], $0xffff  }
0xb7: {  	v13 =	vld.idx.msk [tilespmem:v13+s13+$0x0], $0xffff;
	[tilespmem:s26+$0xA0] =	vst v18  }
0xb8: {  	v10 =	vld.idx.msk [tilespmem:v10+s13+$0x0], $0xffff;
	[tilespmem:s26+$0xB0] =	vst v19  }
0xb9: {  	v14 =	vld.idx.msk [tilespmem:v14+s13+$0x0], $0xffff;
	[tilespmem:s26+$0xC0] =	vst v20  }
0xba: {  	v11 =	vld.idx.msk [tilespmem:v11+s13+$0x0], $0xffff;
	[tilespmem:s26+$0xD0] =	vst v16  }
0xbb: {  	v9 =	vld.idx.msk [tilespmem:v9+s13+$0x0], $0xffff;
	[tilespmem:s26+$0xE0] =	vst v21  }
0xbc: {  	v12 =	vld.idx.msk [tilespmem:v12+s13+$0x0], $0xffff;
	[tilespmem:s26+$0x1F0] =	vst v0  }
0xbd: {  	[tilespmem:s26+$0x100] =	vst v13;
	v8 =	vld.idx.msk [tilespmem:v8+s13+$0x0], $0xffff  }
0xbe: {  	v13 =	vld.idx.msk [tilespmem:v2+s13+$0x0], $0xffff;
	[tilespmem:s26+$0x110] =	vst v10  }
0xbf: {  	v0 =	vld.idx.msk [tilespmem:v7+s13+$0x0], $0xffff;
	[tilespmem:s26+$0x120] =	vst v14  }
.Ltmp0:
0xc0: {  	v2 =	vld.idx.msk [tilespmem:v5+s13+$0x0], $0xffff;
	[tilespmem:s26+$0x130] =	vst v11;
	(pc) =	sbr.rel @p1 .LBB2_3-.Ltmp0, $4  }
0xc1: {  	v3 =	vld.idx.msk [tilespmem:v3+s13+$0x0], $0xffff;
	[tilespmem:s26+$0x140] =	vst v9  }
0xc2: {  	v5 =	vld.idx.msk [tilespmem:v6+s13+$0x0], $0xffff;
	[tilespmem:s26+$0x150] =	vst v12  }
0xc3: {  	v4 =	vld.idx.msk [tilespmem:v4+s13+$0x0], $0xffff;
	[tilespmem:s26+$0x160] =	vst v8  }
0xc4: {  	s29 =	sadd.s32 $0x80, s29;
	[tilespmem:s26+$0x180] =	vst v13;
	v1 =	vld.idx.msk [tilespmem:v1+s13+$0x0], $0xffff  }
0xc5: {  	[tilespmem:s26+$0x190] =	vst v0  }
0xc6: {  	[tilespmem:s26+$0x1A0] =	vst v2  }
0xc7: {  	s28 =	sshll.u32 s25, $0x12;
	[tilespmem:s26+$0x1B0] =	vst v3  }
0xc8: {  	s28 =	sor.u32 s10, s28;
	[tilespmem:s26+$0x1C0] =	vst v5  }
0xc9: {  	s28 =	sshrl.u32 s28, $0x3;
	[tilespmem:s26+$0x1D0] =	vst v4  }
0xca: {  	s30 =	sadd.s32 $0x2, s25;
	s29 =	sadd.s32 s2, s28;
	[tilespmem:s26+$0x1E0] =	vst v1  }
0xcb: {  	[hbm4b:s29+s3] =	stream.linear.scatter [tilespmem:s16], [sflag:$0x1], $0x8000, $0x38;
	[tilespmem:$0x1AE80] =	vst v63  }
0xcc: {  	s25 =	smin.u32 s30, s7;
	_ =	swait.ge [sflag:s17], $0x1000  }
0xcd: {  	s25 =	sshll.u32 s25, $0x9;
	[sflag:s17] =	ssyncset.done $0x0  }
0xce: {  	s25 =	sadd.s32 s4, s25;
	[sflag:s17] =	ssyncadd.s32 $0xFFFFF000  }
0xcf: {  	[tilespmem:s14], [sflag:$0x3] =	stream.linear.gather [hbm4b:s25+s3], $0x1000, $0x38;
	[tilespmem:$0x1AE80] =	vst v63  }
0xd0: {  	s25 =	simm.s32 @!p0 $0x2  }
0xd1: {  	_ =	swait.ge @!p0 [sflag:s25], $0x8000  }
0xd2: {  	[sflag:s25] =	ssyncset.done @!p0 $0x0  }
0xd3: {  	s31 =	simm.s32 $0x9EC0;
	[sflag:s25] =	ssyncadd.s32 @!p0 $0xFFFF8000  }
0xd4: {  	v0 =	vld [tilespmem:s31+$0x30]  }
0xd5: {  	v1 =	vld [tilespmem:s31+$0xFFFFFFD0]  }
0xd6: {  	v2 =	vld [tilespmem:s31+$0xFFFFFFE0]  }
0xd7: {  	v3 =	vld [tilespmem:s31+$0xFFFFFFF0]  }
0xd8: {  	v6 =	vld [tilespmem:s31+$0x0]  }
0xd9: {  	v8 =	vld [tilespmem:s31+$0x10]  }
0xda: {  	v9 =	vld [tilespmem:s31+$0x20]  }
0xdb: {  	v10 =	vld [tilespmem:s31+$0xFFFFFFC0]  }
0xdc: {  	v7 =	vld.idx.msk [tilespmem:v0+s3+$0x0], $0xffff  }
0xdd: {  	v5 =	vld.idx.msk [tilespmem:v1+s3+$0x0], $0xffff  }
0xde: {  	v4 =	vld.idx.msk [tilespmem:v2+s3+$0x0], $0xffff  }
0xdf: {  	v3 =	vld.idx.msk [tilespmem:v3+s3+$0x0], $0xffff  }
0xe0: {  	v2 =	vld.idx.msk [tilespmem:v6+s3+$0x0], $0xffff  }
0xe1: {  	v1 =	vld.idx.msk [tilespmem:v8+s3+$0x0], $0xffff  }
0xe2: {  	v0 =	vld.idx.msk [tilespmem:v9+s3+$0x0], $0xffff  }
0xe3: {  	v6 =	vld.idx.msk [tilespmem:v10+s3+$0x0], $0xffff  }
0xe4: {  	v44 =	vld.idx.msk [tilespmem:v7+s13+$0x0], $0xffff  }
0xe5: {  	v45 =	vld.idx.msk [tilespmem:v5+s13+$0x0], $0xffff  }
0xe6: {  	v46 =	vld.idx.msk [tilespmem:v4+s13+$0x0], $0xffff  }
0xe7: {  	v11 =	vadd.s32 $0x800, v7;
	v12 =	vld.idx.msk [tilespmem:v3+s13+$0x0], $0xffff  }
0xe8: {  	v13 =	vadd.s32 $0x800, v5;
	v14 =	vld.idx.msk [tilespmem:v2+s13+$0x0], $0xffff  }
0xe9: {  	s25 =	simm.s32 $0x13080;
	v15 =	vadd.s32 $0x800, v4;
	v16 =	vld.idx.msk [tilespmem:v1+s13+$0x0], $0xffff  }
0xea: {  	v17 =	vadd.s32 $0x800, v3;
	v18 =	vld.idx.msk [tilespmem:v0+s13+$0x0], $0xffff;
	[tilespmem:s25+$0xFFFFFE70] =	vst v44  }
0xeb: {  	v47 =	vadd.s32 $0x800, v2;
	v19 =	vld.idx.msk [tilespmem:v6+s13+$0x0], $0xffff;
	[tilespmem:s25+$0xFFFFFE10] =	vst v45  }
0xec: {  	v49 =	vadd.s32 $0x800, v1;
	[tilespmem:s25+$0xFFFFFE20] =	vst v46;
	v48 =	vld.idx.msk [tilespmem:v11+s13+$0x0], $0xffff  }
0xed: {  	v52 =	vadd.s32 $0x800, v6;
	[tilespmem:s25+$0xFFFFFE30] =	vst v12;
	v50 =	vld.idx.msk [tilespmem:v13+s13+$0x0], $0xffff  }
0xee: {  	v53 =	vadd.s32 $0x800, v0;
	[tilespmem:s25+$0xFFFFFE40] =	vst v14;
	v15 =	vld.idx.msk [tilespmem:v15+s13+$0x0], $0xffff  }
0xef: {  	v51 =	vadd.s32 $0x1000, v7;
	[tilespmem:s25+$0xFFFFFE50] =	vst v16;
	v17 =	vld.idx.msk [tilespmem:v17+s13+$0x0], $0xffff  }
0xf0: {  	v54 =	vadd.s32 $0x1000, v5;
	[tilespmem:s25+$0xFFFFFE60] =	vst v18;
	v8 =	vld.idx.msk [tilespmem:v47+s13+$0x0], $0xffff  }
0xf1: {  	v55 =	vadd.s32 $0x1000, v4;
	[tilespmem:s25+$0xFFFFFE00] =	vst v19;
	v11 =	vld.idx.msk [tilespmem:v49+s13+$0x0], $0xffff  }
0xf2: {  	v56 =	vadd.s32 $0x1000, v3;
	v13 =	vld.idx.msk [tilespmem:v52+s13+$0x0], $0xffff;
	[tilespmem:s25+$0xFFFFFEF0] =	vst v48  }
0xf3: {  	v57 =	vadd.s32 $0x1000, v2;
	v58 =	vld.idx.msk [tilespmem:v53+s13+$0x0], $0xffff;
	[tilespmem:s25+$0xFFFFFE90] =	vst v50  }
0xf4: {  	v60 =	vadd.s32 $0x1000, v6;
	[tilespmem:s25+$0xFFFFFEA0] =	vst v15;
	v12 =	vld.idx.msk [tilespmem:v51+s13+$0x0], $0xffff  }
0xf5: {  	v61 =	vadd.s32 $0x1000, v1;
	[tilespmem:s25+$0xFFFFFEB0] =	vst v17;
	v16 =	vld.idx.msk [tilespmem:v54+s13+$0x0], $0xffff  }
0xf6: {  	v62 =	vadd.s32 $0x1000, v0;
	[tilespmem:s25+$0xFFFFFEC0] =	vst v8;
	v18 =	vld.idx.msk [tilespmem:v55+s13+$0x0], $0xffff  }
0xf7: {  	v59 =	vadd.s32 $0x1800, v7;
	[tilespmem:s25+$0xFFFFFED0] =	vst v11;
	v9 =	vld.idx.msk [tilespmem:v56+s13+$0x0], $0xffff  }
0xf8: {  	v63 =	vadd.s32 $0x1800, v5;
	[tilespmem:s25+$0xFFFFFE80] =	vst v13;
	v19 =	vld.idx.msk [tilespmem:v57+s13+$0x0], $0xffff  }
0xf9: {  	v21 =	vadd.s32 $0x1800, v4;
	[tilespmem:s25+$0xFFFFFEE0] =	vst v58;
	v15 =	vld.idx.msk [tilespmem:v60+s13+$0x0], $0xffff  }
0xfa: {  	v23 =	vadd.s32 $0x1800, v3;
	v24 =	vld.idx.msk [tilespmem:v61+s13+$0x0], $0xffff;
	[tilespmem:s25+$0xFFFFFF70] =	vst v12  }
0xfb: {  	v26 =	vadd.s32 $0x1800, v6;
	v8 =	vld.idx.msk [tilespmem:v62+s13+$0x0], $0xffff;
	[tilespmem:s25+$0xFFFFFF10] =	vst v16  }
0xfc: {  	v27 =	vadd.s32 $0x1800, v2;
	[tilespmem:s25+$0xFFFFFF20] =	vst v18;
	v22 =	vld.idx.msk [tilespmem:v59+s13+$0x0], $0xffff  }
0xfd: {  	v28 =	vadd.s32 $0x1800, v1;
	[tilespmem:s25+$0xFFFFFF30] =	vst v9;
	v11 =	vld.idx.msk [tilespmem:v63+s13+$0x0], $0xffff  }
0xfe: {  	v29 =	vadd.s32 $0x1800, v0;
	[tilespmem:s25+$0xFFFFFF40] =	vst v19;
	v12 =	vld.idx.msk [tilespmem:v21+s13+$0x0], $0xffff  }
0xff: {  	v25 =	vadd.s32 $0x2000, v7;
	[tilespmem:s25+$0xFFFFFF00] =	vst v15;
	v14 =	vld.idx.msk [tilespmem:v23+s13+$0x0], $0xffff  }
0x100: {  	v30 =	vadd.s32 $0x2000, v5;
	[tilespmem:s25+$0xFFFFFF50] =	vst v24;
	v17 =	vld.idx.msk [tilespmem:v26+s13+$0x0], $0xffff  }
0x101: {  	v32 =	vadd.s32 $0x2000, v4;
	[tilespmem:s25+$0xFFFFFF60] =	vst v8;
	v33 =	vld.idx.msk [tilespmem:v27+s13+$0x0], $0xffff  }
0x102: {  	v35 =	vadd.s32 $0x2000, v6;
	v9 =	vld.idx.msk [tilespmem:v28+s13+$0x0], $0xffff;
	[tilespmem:s25+$0xFFFFFFF0] =	vst v22  }
0x103: {  	v36 =	vadd.s32 $0x2000, v3;
	v37 =	vld.idx.msk [tilespmem:v29+s13+$0x0], $0xffff;
	[tilespmem:s25+$0xFFFFFF90] =	vst v11  }
0x104: {  	v38 =	vadd.s32 $0x2000, v2;
	[tilespmem:s25+$0xFFFFFFA0] =	vst v12;
	v31 =	vld.idx.msk [tilespmem:v25+s13+$0x0], $0xffff  }
0x105: {  	v39 =	vadd.s32 $0x2000, v1;
	[tilespmem:s25+$0xFFFFFFB0] =	vst v14;
	v13 =	vld.idx.msk [tilespmem:v30+s13+$0x0], $0xffff  }
0x106: {  	v40 =	vadd.s32 $0x2000, v0;
	[tilespmem:s25+$0xFFFFFF80] =	vst v17;
	v16 =	vld.idx.msk [tilespmem:v32+s13+$0x0], $0xffff  }
0x107: {  	v34 =	vadd.s32 $0x2800, v7;
	[tilespmem:s25+$0xFFFFFFC0] =	vst v33;
	v18 =	vld.idx.msk [tilespmem:v35+s13+$0x0], $0xffff  }
0x108: {  	v41 =	vadd.s32 $0x2800, v5;
	[tilespmem:s25+$0xFFFFFFD0] =	vst v9;
	v42 =	vld.idx.msk [tilespmem:v36+s13+$0x0], $0xffff  }
0x109: {  	v44 =	vadd.s32 $0x2800, v6;
	[tilespmem:s25+$0xFFFFFFE0] =	vst v37;
	v19 =	vld.idx.msk [tilespmem:v38+s13+$0x0], $0xffff  }
0x10a: {  	v45 =	vadd.s32 $0x2800, v4;
	v46 =	vld.idx.msk [tilespmem:v39+s13+$0x0], $0xffff;
	[tilespmem:s25+$0x70] =	vst v31  }
0x10b: {  	v47 =	vadd.s32 $0x2800, v3;
	v15 =	vld.idx.msk [tilespmem:v40+s13+$0x0], $0xffff;
	[tilespmem:s25+$0x10] =	vst v13  }
0x10c: {  	v48 =	vadd.s32 $0x2800, v2;
	[tilespmem:s25+$0x20] =	vst v16;
	v8 =	vld.idx.msk [tilespmem:v34+s13+$0x0], $0xffff  }
0x10d: {  	v43 =	vadd.s32 $0x3000, v7;
	[tilespmem:s25+$0x0] =	vst v18;
	v17 =	vld.idx.msk [tilespmem:v41+s13+$0x0], $0xffff  }
0x10e: {  	v50 =	vadd.s32 $0x2800, v0;
	[tilespmem:s25+$0x30] =	vst v42;
	v11 =	vld.idx.msk [tilespmem:v44+s13+$0x0], $0xffff  }
0x10f: {  	v49 =	vadd.s32 $0x2800, v1;
	[tilespmem:s25+$0x40] =	vst v19;
	v51 =	vld.idx.msk [tilespmem:v45+s13+$0x0], $0xffff  }
0x110: {  	v52 =	vadd.s32 $0x3000, v6;
	[tilespmem:s25+$0x50] =	vst v46;
	v14 =	vld.idx.msk [tilespmem:v47+s13+$0x0], $0xffff  }
0x111: {  	v53 =	vadd.s32 $0x3000, v5;
	v16 =	vld.idx.msk [tilespmem:v48+s13+$0x0], $0xffff;
	[tilespmem:s25+$0xF0] =	vst v8  }
0x112: {  	v54 =	vadd.s32 $0x3000, v4;
	[tilespmem:s25+$0x60] =	vst v15;
	v9 =	vld.idx.msk [tilespmem:v43+s13+$0x0], $0xffff  }
0x113: {  	v7 =	vadd.s32 $0x3800, v7;
	v18 =	vld.idx.msk [tilespmem:v50+s13+$0x0], $0xffff;
	[tilespmem:s25+$0x90] =	vst v17  }
0x114: {  	v55 =	vadd.s32 $0x3000, v3;
	v8 =	vld.idx.msk [tilespmem:v49+s13+$0x0], $0xffff;
	[tilespmem:s25+$0x80] =	vst v11  }
0x115: {  	v56 =	vadd.s32 $0x3000, v2;
	[tilespmem:s25+$0xA0] =	vst v51;
	v12 =	vld.idx.msk [tilespmem:v52+s13+$0x0], $0xffff  }
0x116: {  	v57 =	vadd.s32 $0x3000, v1;
	[tilespmem:s25+$0xB0] =	vst v14;
	v13 =	vld.idx.msk [tilespmem:v53+s13+$0x0], $0xffff  }
0x117: {  	v58 =	vadd.s32 $0x3000, v0;
	v59 =	vld.idx.msk [tilespmem:v54+s13+$0x0], $0xffff;
	[tilespmem:s25+$0x170] =	vst v9  }
0x118: {  	v6 =	vadd.s32 $0x3800, v6;
	[tilespmem:s25+$0xC0] =	vst v16;
	v7 =	vld.idx.msk [tilespmem:v7+s13+$0x0], $0xffff  }
0x119: {  	v5 =	vadd.s32 $0x3800, v5;
	[tilespmem:s25+$0xE0] =	vst v18;
	v60 =	vld.idx.msk [tilespmem:v55+s13+$0x0], $0xffff  }
0x11a: {  	v3 =	vadd.s32 $0x3800, v3;
	v61 =	vld.idx.msk [tilespmem:v56+s13+$0x0], $0xffff;
	[tilespmem:s25+$0xD0] =	vst v8  }
0x11b: {  	v4 =	vadd.s32 $0x3800, v4;
	v62 =	vld.idx.msk [tilespmem:v57+s13+$0x0], $0xffff;
	[tilespmem:s25+$0x100] =	vst v12  }
0x11c: {  	v1 =	vadd.s32 $0x3800, v1;
	v10 =	vld.idx.msk [tilespmem:v58+s13+$0x0], $0xffff;
	[tilespmem:s25+$0x110] =	vst v13  }
0x11d: {  	v6 =	vld.idx.msk [tilespmem:v6+s13+$0x0], $0xffff;
	[tilespmem:s25+$0x1F0] =	vst v7;
	v7 =	vadd.s32 $0x3800, v2  }
0x11e: {  	v63 =	vadd.s32 $0x3800, v0;
	[tilespmem:s25+$0x130] =	vst v60;
	v0 =	vld.idx.msk [tilespmem:v5+s13+$0x0], $0xffff  }
0x11f: {  	[tilespmem:s25+$0x120] =	vst v59;
	v3 =	vld.idx.msk [tilespmem:v3+s13+$0x0], $0xffff  }
0x120: {  	[tilespmem:s25+$0x150] =	vst v62;
	v2 =	vld.idx.msk [tilespmem:v4+s13+$0x0], $0xffff  }
0x121: {  	[tilespmem:s25+$0x140] =	vst v61;
	v4 =	vld.idx.msk [tilespmem:v1+s13+$0x0], $0xffff  }
0x122: {  	[tilespmem:s25+$0x160] =	vst v10;
	v5 =	vld.idx.msk [tilespmem:v7+s13+$0x0], $0xffff  }
0x123: {  	s28 =	simm.s32 $0x9F40;
	s26 =	simm.s32 $0x0;
	[tilespmem:s25+$0x180] =	vst v6;
	v1 =	vld.idx.msk [tilespmem:v63+s13+$0x0], $0xffff  }
.LBB2_5:
0x124: {  	v6 =	vld [tilespmem:s28+$0x30];
	s26 =	sadd.s32 $0x8, s26;
	[tilespmem:s25+$0x190] =	vst v0  }
0x125: {  	v7 =	vld [tilespmem:s28+$0xFFFFFFD0];
	p0 =	slt.u32 s26, $0xF8;
	[tilespmem:s25+$0x1A0] =	vst v2  }
0x126: {  	v2 =	vld [tilespmem:s28+$0xFFFFFFE0];
	[tilespmem:s25+$0x1B0] =	vst v3  }
0x127: {  	v3 =	vld [tilespmem:s28+$0xFFFFFFF0];
	[tilespmem:s25+$0x1C0] =	vst v5  }
0x128: {  	v5 =	vld [tilespmem:s28+$0x0];
	[tilespmem:s25+$0x1D0] =	vst v4  }
0x129: {  	v4 =	vld [tilespmem:s28+$0x10];
	[tilespmem:s25+$0x1E0] =	vst v1  }
0x12a: {  	v1 =	vld [tilespmem:s28+$0x20]  }
0x12b: {  	v8 =	vld [tilespmem:s28+$0xFFFFFFC0]  }
0x12c: {  	v0 =	vld.idx.msk [tilespmem:v6+s3+$0x0], $0xffff  }
0x12d: {  	v6 =	vld.idx.msk [tilespmem:v7+s3+$0x0], $0xffff  }
0x12e: {  	v17 =	vld.idx.msk [tilespmem:v2+s3+$0x0], $0xffff  }
0x12f: {  	v3 =	vld.idx.msk [tilespmem:v3+s3+$0x0], $0xffff  }
0x130: {  	v18 =	vld.idx.msk [tilespmem:v5+s3+$0x0], $0xffff  }
0x131: {  	v4 =	vld.idx.msk [tilespmem:v4+s3+$0x0], $0xffff  }
0x132: {  	v1 =	vld.idx.msk [tilespmem:v1+s3+$0x0], $0xffff  }
0x133: {  	v5 =	vadd.s32 $0x800, v6;
	v19 =	vadd.s32 $0x1000, v6;
	v20 =	vadd.s32 $0x1800, v6;
	v2 =	vld.idx.msk [tilespmem:v8+s3+$0x0], $0xffff  }
0x134: {  	v7 =	vadd.s32 $0x800, v17;
	v21 =	vadd.s32 $0x1000, v17;
	v22 =	vadd.s32 $0x1800, v17;
	v8 =	vld.idx.msk [tilespmem:v0+s13+$0x0], $0xffff  }
0x135: {  	v11 =	vadd.s32 $0x800, v3;
	v23 =	vadd.s32 $0x1000, v3;
	v24 =	vadd.s32 $0x1800, v3;
	v9 =	vld.idx.msk [tilespmem:v6+s13+$0x0], $0xffff  }
0x136: {  	v13 =	vadd.s32 $0x800, v0;
	v12 =	vadd.s32 $0x800, v18;
	v25 =	vadd.s32 $0x1000, v18;
	v10 =	vld.idx.msk [tilespmem:v17+s13+$0x0], $0xffff  }
0x137: {  	v26 =	vadd.s32 $0x1800, v18;
	v27 =	vadd.s32 $0x800, v4;
	v28 =	vadd.s32 $0x1000, v4;
	v14 =	vld.idx.msk [tilespmem:v3+s13+$0x0], $0xffff  }
0x138: {  	v29 =	vadd.s32 $0x1800, v4;
	v30 =	vadd.s32 $0x800, v1;
	v31 =	vadd.s32 $0x1000, v1;
	v16 =	vld.idx.msk [tilespmem:v18+s13+$0x0], $0xffff  }
0x139: {  	s25 =	sadd.s32 $0x400, s25;
	v32 =	vadd.s32 $0x800, v2;
	v33 =	vadd.s32 $0x1000, v2;
	v34 =	vadd.s32 $0x1800, v2;
	v35 =	vld.idx.msk [tilespmem:v4+s13+$0x0], $0xffff  }
0x13a: {  	v37 =	vadd.s32 $0x2000, v6;
	v39 =	vadd.s32 $0x1800, v1;
	v36 =	vadd.s32 $0x2000, v2;
	v38 =	vld.idx.msk [tilespmem:v1+s13+$0x0], $0xffff;
	[tilespmem:s25+$0xFFFFFE70] =	vst v8  }
0x13b: {  	v40 =	vadd.s32 $0x2000, v17;
	v41 =	vadd.s32 $0x2000, v3;
	v42 =	vadd.s32 $0x2000, v18;
	[tilespmem:s25+$0xFFFFFE10] =	vst v9;
	v43 =	vld.idx.msk [tilespmem:v13+s13+$0x0], $0xffff  }
0x13c: {  	v45 =	vadd.s32 $0x2000, v4;
	v46 =	vadd.s32 $0x2000, v1;
	v15 =	vadd.s32 $0x2800, v2;
	v44 =	vld.idx.msk [tilespmem:v2+s13+$0x0], $0xffff;
	[tilespmem:s25+$0xFFFFFE20] =	vst v10  }
0x13d: {  	v50 =	vadd.s32 $0x1000, v0;
	v48 =	vadd.s32 $0x2800, v6;
	v49 =	vadd.s32 $0x2800, v17;
	v47 =	vld.idx.msk [tilespmem:v5+s13+$0x0], $0xffff;
	[tilespmem:s25+$0xFFFFFE30] =	vst v14  }
0x13e: {  	v52 =	vadd.s32 $0x2800, v3;
	v53 =	vadd.s32 $0x2800, v18;
	v51 =	vld.idx.msk [tilespmem:v7+s13+$0x0], $0xffff;
	[tilespmem:s25+$0xFFFFFE40] =	vst v16;
	v16 =	vadd.s32 $0x2800, v4  }
0x13f: {  	v13 =	vadd.s32 $0x3000, v2;
	v10 =	vadd.s32 $0x3000, v6;
	v54 =	vld.idx.msk [tilespmem:v11+s13+$0x0], $0xffff;
	[tilespmem:s25+$0xFFFFFE50] =	vst v35;
	v35 =	vadd.s32 $0x2800, v1  }
0x140: {  	v9 =	vadd.s32 $0x3000, v18;
	v14 =	vadd.s32 $0x3000, v17;
	v11 =	vadd.s32 $0x3000, v3;
	v55 =	vld.idx.msk [tilespmem:v12+s13+$0x0], $0xffff;
	[tilespmem:s25+$0xFFFFFE60] =	vst v38  }
0x141: {  	v8 =	vadd.s32 $0x3000, v1;
	v2 =	vadd.s32 $0x3800, v2;
	v12 =	vadd.s32 $0x3000, v4;
	v27 =	vld.idx.msk [tilespmem:v27+s13+$0x0], $0xffff;
	[tilespmem:s25+$0xFFFFFEF0] =	vst v43  }
0x142: {  	v5 =	vadd.s32 $0x3800, v17;
	v7 =	vadd.s32 $0x3800, v6;
	v3 =	vadd.s32 $0x3800, v3;
	[tilespmem:s25+$0xFFFFFE00] =	vst v44;
	v17 =	vld.idx.msk [tilespmem:v50+s13+$0x0], $0xffff  }
0x143: {  	v6 =	vadd.s32 $0x3800, v18;
	v1 =	vadd.s32 $0x3800, v1;
	v4 =	vadd.s32 $0x3800, v4;
	v32 =	vld.idx.msk [tilespmem:v32+s13+$0x0], $0xffff;
	[tilespmem:s25+$0xFFFFFE90] =	vst v47  }
0x144: {  	[tilespmem:s25+$0xFFFFFEA0] =	vst v51;
	v18 =	vld.idx.msk [tilespmem:v30+s13+$0x0], $0xffff;
	v30 =	vadd.s32 $0x1800, v0  }
0x145: {  	v19 =	vld.idx.msk [tilespmem:v19+s13+$0x0], $0xffff;
	[tilespmem:s25+$0xFFFFFEB0] =	vst v54  }
0x146: {  	v21 =	vld.idx.msk [tilespmem:v21+s13+$0x0], $0xffff;
	[tilespmem:s25+$0xFFFFFEC0] =	vst v55  }
0x147: {  	v23 =	vld.idx.msk [tilespmem:v23+s13+$0x0], $0xffff;
	[tilespmem:s25+$0xFFFFFED0] =	vst v27  }
0x148: {  	v25 =	vld.idx.msk [tilespmem:v25+s13+$0x0], $0xffff;
	[tilespmem:s25+$0xFFFFFF70] =	vst v17  }
0x149: {  	[tilespmem:s25+$0xFFFFFE80] =	vst v32;
	v17 =	vld.idx.msk [tilespmem:v30+s13+$0x0], $0xffff  }
0x14a: {  	v27 =	vld.idx.msk [tilespmem:v33+s13+$0x0], $0xffff;
	[tilespmem:s25+$0xFFFFFEE0] =	vst v18  }
0x14b: {  	[tilespmem:s25+$0xFFFFFF10] =	vst v19;
	v18 =	vld.idx.msk [tilespmem:v28+s13+$0x0], $0xffff;
	v19 =	vadd.s32 $0x2000, v0  }
0x14c: {  	[tilespmem:s25+$0xFFFFFF20] =	vst v21;
	v21 =	vld.idx.msk [tilespmem:v31+s13+$0x0], $0xffff  }
0x14d: {  	v20 =	vld.idx.msk [tilespmem:v20+s13+$0x0], $0xffff;
	[tilespmem:s25+$0xFFFFFF30] =	vst v23  }
0x14e: {  	v22 =	vld.idx.msk [tilespmem:v22+s13+$0x0], $0xffff;
	[tilespmem:s25+$0xFFFFFF40] =	vst v25  }
0x14f: {  	v23 =	vld.idx.msk [tilespmem:v24+s13+$0x0], $0xffff;
	[tilespmem:s25+$0xFFFFFFF0] =	vst v17  }
0x150: {  	[tilespmem:s25+$0xFFFFFF00] =	vst v27;
	v17 =	vld.idx.msk [tilespmem:v19+s13+$0x0], $0xffff  }
0x151: {  	v19 =	vld.idx.msk [tilespmem:v34+s13+$0x0], $0xffff;
	[tilespmem:s25+$0xFFFFFF50] =	vst v18  }
0x152: {  	v18 =	vld.idx.msk [tilespmem:v26+s13+$0x0], $0xffff;
	[tilespmem:s25+$0xFFFFFF60] =	vst v21;
	v21 =	vadd.s32 $0x2800, v0  }
0x153: {  	[tilespmem:s25+$0xFFFFFF90] =	vst v20;
	v20 =	vld.idx.msk [tilespmem:v29+s13+$0x0], $0xffff  }
0x154: {  	[tilespmem:s25+$0xFFFFFFA0] =	vst v22;
	v22 =	vld.idx.msk [tilespmem:v39+s13+$0x0], $0xffff  }
0x155: {  	v24 =	vld.idx.msk [tilespmem:v37+s13+$0x0], $0xffff;
	[tilespmem:s25+$0xFFFFFFB0] =	vst v23  }
0x156: {  	v23 =	vld.idx.msk [tilespmem:v40+s13+$0x0], $0xffff;
	[tilespmem:s25+$0x70] =	vst v17  }
0x157: {  	[tilespmem:s25+$0xFFFFFF80] =	vst v19;
	v17 =	vld.idx.msk [tilespmem:v21+s13+$0x0], $0xffff  }
0x158: {  	v19 =	vld.idx.msk [tilespmem:v36+s13+$0x0], $0xffff;
	[tilespmem:s25+$0xFFFFFFC0] =	vst v18  }
0x159: {  	v18 =	vld.idx.msk [tilespmem:v41+s13+$0x0], $0xffff;
	[tilespmem:s25+$0xFFFFFFD0] =	vst v20;
	v20 =	vadd.s32 $0x3000, v0  }
0x15a: {  	v21 =	vld.idx.msk [tilespmem:v42+s13+$0x0], $0xffff;
	[tilespmem:s25+$0xFFFFFFE0] =	vst v22  }
0x15b: {  	[tilespmem:s25+$0x10] =	vst v24;
	v22 =	vld.idx.msk [tilespmem:v45+s13+$0x0], $0xffff  }
0x15c: {  	[tilespmem:s25+$0x20] =	vst v23;
	v23 =	vld.idx.msk [tilespmem:v46+s13+$0x0], $0xffff  }
0x15d: {  	v24 =	vld.idx.msk [tilespmem:v48+s13+$0x0], $0xffff;
	[tilespmem:s25+$0xF0] =	vst v17  }
0x15e: {  	[tilespmem:s25+$0x0] =	vst v19;
	v17 =	vld.idx.msk [tilespmem:v20+s13+$0x0], $0xffff  }
0x15f: {  	v15 =	vld.idx.msk [tilespmem:v15+s13+$0x0], $0xffff;
	[tilespmem:s25+$0x30] =	vst v18  }
0x160: {  	v0 =	vadd.s32 $0x3800, v0;
	v18 =	vld.idx.msk [tilespmem:v49+s13+$0x0], $0xffff;
	[tilespmem:s25+$0x40] =	vst v21  }
0x161: {  	v19 =	vld.idx.msk [tilespmem:v52+s13+$0x0], $0xffff;
	[tilespmem:s25+$0x50] =	vst v22  }
0x162: {  	v20 =	vld.idx.msk [tilespmem:v53+s13+$0x0], $0xffff;
	[tilespmem:s25+$0x60] =	vst v23  }
0x163: {  	[tilespmem:s25+$0x90] =	vst v24;
	v16 =	vld.idx.msk [tilespmem:v16+s13+$0x0], $0xffff  }
0x164: {  	v21 =	vld.idx.msk [tilespmem:v35+s13+$0x0], $0xffff;
	[tilespmem:s25+$0x170] =	vst v17  }
0x165: {  	[tilespmem:s25+$0x80] =	vst v15;
	v0 =	vld.idx.msk [tilespmem:v0+s13+$0x0], $0xffff  }
0x166: {  	v13 =	vld.idx.msk [tilespmem:v13+s13+$0x0], $0xffff;
	[tilespmem:s25+$0xA0] =	vst v18  }
0x167: {  	v10 =	vld.idx.msk [tilespmem:v10+s13+$0x0], $0xffff;
	[tilespmem:s25+$0xB0] =	vst v19  }
0x168: {  	v14 =	vld.idx.msk [tilespmem:v14+s13+$0x0], $0xffff;
	[tilespmem:s25+$0xC0] =	vst v20  }
0x169: {  	v11 =	vld.idx.msk [tilespmem:v11+s13+$0x0], $0xffff;
	[tilespmem:s25+$0xD0] =	vst v16  }
0x16a: {  	v9 =	vld.idx.msk [tilespmem:v9+s13+$0x0], $0xffff;
	[tilespmem:s25+$0xE0] =	vst v21  }
0x16b: {  	v12 =	vld.idx.msk [tilespmem:v12+s13+$0x0], $0xffff;
	[tilespmem:s25+$0x1F0] =	vst v0  }
0x16c: {  	[tilespmem:s25+$0x100] =	vst v13;
	v8 =	vld.idx.msk [tilespmem:v8+s13+$0x0], $0xffff  }
0x16d: {  	v13 =	vld.idx.msk [tilespmem:v2+s13+$0x0], $0xffff;
	[tilespmem:s25+$0x110] =	vst v10  }
0x16e: {  	v0 =	vld.idx.msk [tilespmem:v7+s13+$0x0], $0xffff;
	[tilespmem:s25+$0x120] =	vst v14  }
.Ltmp1:
0x16f: {  	v2 =	vld.idx.msk [tilespmem:v5+s13+$0x0], $0xffff;
	[tilespmem:s25+$0x130] =	vst v11;
	(pc) =	sbr.rel @p0 .LBB2_5-.Ltmp1, $4  }
0x170: {  	v3 =	vld.idx.msk [tilespmem:v3+s13+$0x0], $0xffff;
	[tilespmem:s25+$0x140] =	vst v9  }
0x171: {  	v5 =	vld.idx.msk [tilespmem:v6+s13+$0x0], $0xffff;
	[tilespmem:s25+$0x150] =	vst v12  }
0x172: {  	v4 =	vld.idx.msk [tilespmem:v4+s13+$0x0], $0xffff;
	[tilespmem:s25+$0x160] =	vst v8  }
0x173: {  	s28 =	sadd.s32 $0x80, s28;
	[tilespmem:s25+$0x180] =	vst v13;
	v1 =	vld.idx.msk [tilespmem:v1+s13+$0x0], $0xffff  }
0x174: {  	[tilespmem:s25+$0x190] =	vst v0;
	s23 =	sadd.s32 $0x1, s23  }
0x175: {  	[tilespmem:s25+$0x1A0] =	vst v2;
	p0 =	sne.s32 s23, $0x19  }
.Ltmp2:
0x176: {  	s24 =	sshll.u32 s24, $0x12;
	[tilespmem:s25+$0x1B0] =	vst v3;
	(pc) =	sbr.rel @p0 .LBB2_2-.Ltmp2, $4  }
0x177: {  	s24 =	sor.u32 s10, s24;
	[tilespmem:s25+$0x1C0] =	vst v5  }
0x178: {  	s24 =	sshrl.u32 s24, $0x3;
	[tilespmem:s25+$0x1D0] =	vst v4  }
0x179: {  	s24 =	sadd.s32 s2, s24;
	[tilespmem:s25+$0x1E0] =	vst v1  }
0x17a: {  	[hbm4b:s24+s3] =	stream.linear.scatter [tilespmem:s18], [sflag:$0x2], $0x8000, $0x38;
	[tilespmem:$0x1AE80] =	vst v63  }
0x17b: {  	_ =	swait.ge [sflag:s19], $0x1000  }
0x17c: {  	[sflag:s19] =	ssyncset.done $0x0  }
0x17d: {  	s22 =	sadd.s32 $0x1, s22;
	[sflag:s19] =	ssyncadd.s32 $0xFFFFF000  }
0x17e: {  	p0 =	sne.s32 s22, s11;
	_ =	swait.ge [sflag:s20], $0x8000  }
.Ltmp3:
0x17f: {  	[sflag:s20] =	ssyncset.done $0x0;
	(pc) =	sbr.rel @p0 .LBB2_1-.Ltmp3, $4  }
0x180: {  	[sflag:s20] =	ssyncadd.s32 $0xFFFF8000  }
0x181: {  	_ =	swait.ge [sflag:s21], $0x8000  }
0x182: {  	[sflag:s21] =	ssyncset.done $0x0  }
0x183: {  	[sflag:s21] =	ssyncadd.s32 $0xFFFF8000  }
0x184: {  	_ =	sfence.sel $0x180000  }
0x185: {  	[bflag:$0x0] =	sbarrier.arrive $0xFFFF  }
0x186: {  	p0 =	sne.s32 s1, $0x0;
	_ =	strace $0x90000047  }
0x187: {  	s0 =	sadd.s32 @!p0 $0x100000, s0;
	[bflag:$0x2] =	sbarrier.arrive $0xFFFF  }
0x188: {  	[sflag:s0] =	ssyncadd.tile.s32 @!p0 $0x1;
	_ =	shalt  }
.Lfunc_end2:
_tile_overlayer_lowered:
.L_overlay_start_2:
0x189: {  	(tag) =	ssettag $0x2  }
0x18a: {  	s0 =	rddreg [dreg:$0x0];
	s2 =	stileid.u32  }
0x18b: {  	s1 =	rddreg [dreg:$0x1];
	p0 =	sne.s32 s2, $0x0  }
0x18c: {  	s3 =	rddreg [dreg:$0x2];
	[bflag:$0x3] =	sbarrier.arrive $0xFFFF;
	s2 =	simm.s32 @!p0 $0x1C05  }
0x18d: {  	[timem:s3], [sflag:s2] =	dma.local @!p0 [hbm:s0], s1  }
0x18e: {  	s0 =	simm.s32 @!p0 $0x5  }
0x18f: {  	_ =	swait.ge @!p0 [sflag:s0], s1  }
0x190: {  	s1 =	ssub.s32 @!p0 $0x0, s1;
	[sflag:s0] =	ssyncset.done @!p0 $0x0  }
0x191: {  	[sflag:s0] =	ssyncadd.s32 @!p0 s1  }
0x192: {  	[bflag:$0x3] =	sbarrier.arrive $0xFFFF  }
0x193: {  	_ =	shalt  }

</sc_bundles>
